<compile_context>
chip_gen: v7x
topology: tpu7x:2x2x1
jax: 0.10.2.dev20260603
libtpu: 0.0.44.dev20260713+nightly
codegen_flags: <defaults>
</compile_context>

<pallas_src>
import jax
import jax.numpy as jnp
import numpy as np
from jax import lax
from jax.experimental import pallas as pl
from jax.experimental.pallas import tpu as pltpu
from jax.experimental.pallas import tpu_sc as plsc

N = 50000
D = 128
E = 200000
R = 3

NC = 2
NS = 16
NRANGE = 8
NPR = NRANGE // NC
RANGE = 6400
ACC_R = 6528
ZSTRIPE = ACC_R // NS
DSTRIPE = RANGE // NS

CH = 1792
NCH = 21
EPT = CH * NCH
E_PAD = NS * EPT
CAPB = 6144
CLAMP = CAPB - 128
BROW = 32
NBROW = CAPB // BROW
NBUF = 4
ZB_ROWS = 51


def _matmul_body(x_ref, w_ref, out_ref):
    out_ref[...] = jnp.dot(x_ref[...], w_ref[0],
                           preferred_element_type=jnp.float32)


def _transform_nodes(x, W):
    BN = 400
    grid = (R, N // BN)
    return pl.pallas_call(
        _matmul_body,
        grid=grid,
        in_specs=[
            pl.BlockSpec((BN, D), lambda r, nb: (nb, 0)),
            pl.BlockSpec((1, D, D), lambda r, nb: (r, 0, 0)),
        ],
        out_specs=pl.BlockSpec((BN, D), lambda r, nb: (r * (N // BN) + nb, 0)),
        out_shape=jax.ShapeDtypeStruct((R * N, D), jnp.float32),
    )(x, W)


def _sc_body(y_hbm, gsrc_hbm, gdst_hbm, out_hbm,
             bsrc, bdst2, srcchunk, dstchunk, rb0, rb1, rb2, rb3, zbuf, acc,
             sm0, sm1, sm2, sm3):
    rbufs = (rb0, rb1, rb2, rb3)
    sems = (sm0, sm1, sm2, sm3)
    c = lax.axis_index("c")
    s = lax.axis_index("s")
    lo_base = c * (NPR * RANGE)
    tb = s * EPT

    zeros16 = jnp.zeros((16,), jnp.float32)

    def zfill(r, carry):
        for l in range(8):
            zbuf[r, pl.ds(l * 16, 16)] = zeros16
        return carry

    lax.fori_loop(0, ZB_ROWS, zfill, 0)

    trash = jnp.full((16,), RANGE, jnp.int32)
    zsrc16 = jnp.zeros((16,), jnp.int32)

    def bfill(i, carry):
        bsrc[pl.ds(i * 16, 16)] = zsrc16
        return carry

    lax.fori_loop(0, NPR * CAPB // 16, bfill, 0)

    def bfill2(i, carry):
        for l in range(BROW // 16):
            bdst2[i, pl.ds(l * 16, 16)] = trash
        return carry

    lax.fori_loop(0, NPR * NBROW, bfill2, 0)

    def scan_chunk(t, cnts):
        pltpu.sync_copy(gsrc_hbm.at[pl.ds(tb + t * CH, CH)], srcchunk)
        pltpu.sync_copy(gdst_hbm.at[pl.ds(tb + t * CH, CH)], dstchunk)

        def vstep(j, cnts):
            sv = srcchunk[pl.ds(j * 16, 16)]
            dv = dstchunk[pl.ds(j * 16, 16)]
            new = []
            for p in range(NPR):
                lo = lo_base + p * RANGE
                m = (dv >= lo) & (dv < lo + RANGE)
                mi = m.astype(jnp.int32)
                idx = p * CAPB + cnts[p] + plsc.cumsum(mi) - 1
                plsc.store_scatter(bsrc, [idx], sv, mask=m)
                plsc.store_scatter(
                    bdst2,
                    [lax.shift_right_logical(idx, 5),
                     lax.bitwise_and(idx, jnp.int32(BROW - 1))],
                    dv - lo, mask=m)
                popv = plsc.all_reduce_population_count(m)
                new.append(jnp.minimum(cnts[p] + popv, CLAMP))
            return tuple(new)

        return lax.fori_loop(0, CH // 16, vstep, cnts)

    zerov = jnp.zeros((16,), jnp.int32)
    cnts = lax.fori_loop(0, NCH, scan_chunk, (zerov,) * NPR)

    cmaxv = cnts[0]
    for p in range(1, NPR):
        cmaxv = jnp.maximum(cmaxv, cnts[p])
    cmax = jnp.max(cmaxv)
    nquad = (cmax + NBUF * BROW - 1) // (NBUF * BROW)
    nblk = nquad * NBUF

    def pbody(p, carry):
        def zcopy(k, carry2):
            pltpu.sync_copy(
                zbuf, acc.at[pl.ds(s * ZSTRIPE + k * ZB_ROWS, ZB_ROWS)])
            return carry2

        lax.fori_loop(0, ZSTRIPE // ZB_ROWS, zcopy, 0)
        plsc.subcore_barrier()

        def gwin(b):
            return y_hbm.at[bsrc.at[pl.ds(p * CAPB + b * BROW, BROW)]]

        @pl.when(nquad > 0)
        def _():
            for b in range(NBUF - 1):
                pltpu.async_copy(gwin(b), rbufs[b], sems[b])

        def gquad(k, carry2):
            for b in range(NBUF):
                j = NBUF * k + b
                pltpu.make_async_copy(gwin(j), rbufs[b], sems[b]).wait()
                pltpu.sync_copy(rbufs[b], acc.at[bdst2.at[p * NBROW + j]],
                                add=True)

                @pl.when(j + NBUF - 1 < nblk)
                def _():
                    pltpu.async_copy(gwin(j + NBUF - 1),
                                     rbufs[(b + NBUF - 1) % NBUF],
                                     sems[(b + NBUF - 1) % NBUF])
            return carry2

        lax.fori_loop(0, nquad, gquad, 0)
        plsc.subcore_barrier()

        lo = lo_base + p * RANGE
        pltpu.sync_copy(acc.at[pl.ds(s * DSTRIPE, DSTRIPE)],
                        out_hbm.at[pl.ds(lo + s * DSTRIPE, DSTRIPE)])
        plsc.subcore_barrier()
        return carry

    lax.fori_loop(0, NPR, pbody, 0)


def _scatter_phase(y, gsrc, gdst):
    mesh = plsc.VectorSubcoreMesh(
        core_axis_name="c", subcore_axis_name="s",
        num_cores=NC, num_subcores=NS)
    k = pl.kernel(
        _sc_body,
        out_type=jax.ShapeDtypeStruct((NRANGE * RANGE, D), jnp.float32),
        mesh=mesh,
        compiler_params=pltpu.CompilerParams(
            use_tc_tiling_on_sc=False, needs_layout_passes=False),
        scratch_types=[
            pltpu.VMEM((NPR * CAPB,), jnp.int32),
            pltpu.VMEM((NPR * NBROW, BROW), jnp.int32),
            pltpu.VMEM((CH,), jnp.int32),
            pltpu.VMEM((CH,), jnp.int32),
            pltpu.VMEM((BROW, D), jnp.float32),
            pltpu.VMEM((BROW, D), jnp.float32),
            pltpu.VMEM((BROW, D), jnp.float32),
            pltpu.VMEM((BROW, D), jnp.float32),
            pltpu.VMEM((ZB_ROWS, D), jnp.float32),
            pltpu.VMEM_SHARED((ACC_R, D), jnp.float32),
            pltpu.SemaphoreType.DMA,
            pltpu.SemaphoreType.DMA,
            pltpu.SemaphoreType.DMA,
            pltpu.SemaphoreType.DMA,
        ],
    )
    return k(y, gsrc, gdst)


def kernel(x, edge_index_r0, edge_index_r1, edge_index_r2, W):
    y = _transform_nodes(x, W)

    real = 3 * E // NS
    padt = EPT - real
    gsrc = jnp.concatenate([
        jnp.concatenate([
            edge_index_r0[0],
            edge_index_r1[0] + N,
            edge_index_r2[0] + 2 * N,
        ]).reshape(NS, real),
        jnp.zeros((NS, padt), jnp.int32),
    ], axis=1).reshape(E_PAD)
    gdst = jnp.concatenate([
        jnp.concatenate([
            edge_index_r0[1],
            edge_index_r1[1],
            edge_index_r2[1],
        ]).reshape(NS, real),
        jnp.full((NS, padt), N, jnp.int32),
    ], axis=1).reshape(E_PAD)

    hpad = _scatter_phase(y, gsrc, gdst)
    return hpad[:N]

# --- scband reference (transcript-rebuilt; emitter-appended) ---
"""Pipeline reference for scband-rgcnhetero-3908420239951 (READ-ONLY COPY).

The authoritative reference and input builder live on the scoring server;
editing this copy changes nothing except your own understanding.
"""

import jax, jax.numpy as jnp
import numpy as np

N = 50000
D = 128
E = 200000
R = 3


def setup_inputs(seed: int = 0) -> dict:
    key = jax.random.key(seed)
    ks = jax.random.split(key, 5)
    x = jax.random.normal(ks[0], (N, D), dtype=jnp.float32)
    ei0 = jax.random.randint(ks[1], (2, E), 0, N, dtype=jnp.int32)
    ei1 = jax.random.randint(ks[2], (2, E), 0, N, dtype=jnp.int32)
    ei2 = jax.random.randint(ks[3], (2, E), 0, N, dtype=jnp.int32)
    W = jax.random.normal(ks[4], (R, D, D), dtype=jnp.float32) * 0.05
    return {"x": x, "edge_index_r0": ei0, "edge_index_r1": ei1, "edge_index_r2": ei2, "W": W}


def reference(x, edge_index_r0, edge_index_r1, edge_index_r2, W):
    # RGCNHetero forward: for each relation rel, message m = h_src @ W[rel],
    # reduce fn.sum('m','h') over incoming edges, then cross-relation 'sum'.
    # Single node type; per-relation edge lists emulate the DGL heterograph.
    num_nodes = x.shape[0]
    h = jnp.zeros((num_nodes, W.shape[2]), dtype=x.dtype)
    for i, ei in enumerate((edge_index_r0, edge_index_r1, edge_index_r2)):
        src = ei[0]
        dst = ei[1]
        m = jnp.take(x, src, axis=0) @ W[i]  # per-edge message: edges.src['h'] @ weight[etype]
        h = h + jax.ops.segment_sum(m, dst, num_segments=num_nodes)  # fn.sum + cross-etype 'sum'
    return h

if __name__ == "__main__":
    import jax
    _d = setup_inputs()
    print(jax.jit(kernel)(*tuple(_d.values())))

</pallas_src>

<mosaic_0001>
#map = affine_map<(d0, d1) -> (0, 0)>
#map1 = affine_map<(d0, d1) -> (0)>
module attributes {stable_mosaic.version = 14 : i64} {
  func.func @_sc_body(%arg0: i32, %arg1: i32, %arg2: memref<150000x128xf32, #tpu.memory_space<hbm>>, %arg3: memref<602112xi32, #tpu.memory_space<hbm>>, %arg4: memref<602112xi32, #tpu.memory_space<hbm>>, %arg5: memref<51200x128xf32, #tpu.memory_space<hbm>>, %arg6: memref<24576xi32, #tpu.memory_space<vmem>>, %arg7: memref<768x32xi32, #tpu.memory_space<vmem>>, %arg8: memref<1792xi32, #tpu.memory_space<vmem>>, %arg9: memref<1792xi32, #tpu.memory_space<vmem>>, %arg10: memref<32x128xf32, #tpu.memory_space<vmem>>, %arg11: memref<32x128xf32, #tpu.memory_space<vmem>>, %arg12: memref<32x128xf32, #tpu.memory_space<vmem>>, %arg13: memref<32x128xf32, #tpu.memory_space<vmem>>, %arg14: memref<51x128xf32, #tpu.memory_space<vmem>>, %arg15: memref<6528x128xf32, #tpu.memory_space<vmem_shared>>, %arg16: memref<!tpu.dma_semaphore, #tpu.memory_space<semaphore_mem>>, %arg17: memref<!tpu.dma_semaphore, #tpu.memory_space<semaphore_mem>>, %arg18: memref<!tpu.dma_semaphore, #tpu.memory_space<semaphore_mem>>, %arg19: memref<!tpu.dma_semaphore, #tpu.memory_space<semaphore_mem>>) attributes {dimension_semantics = [#tpu.dimension_semantics<core_parallel>, #tpu.dimension_semantics<subcore_parallel>], iteration_bounds = array<i64: 2, 16>, scalar_prefetch = 0 : i64, scratch_operands = 14 : i64, tpu.core_type = #tpu.core_type<sc_vector_subcore>, window_params = [{transform_indices = #map}, {transform_indices = #map1}, {transform_indices = #map1}, {transform_indices = #map}]} {
    %mul3A = arith.constant 25600 : i32
    %mul3A_0 = arith.muli %arg0, %mul3A : i32
    %mul3A_1 = arith.constant 37632 : i32
    %mul3A_2 = arith.muli %arg1, %mul3A_1 : i32
    %broadcast_in_dim3A = arith.constant 0.000000e+00 : f32
    %broadcast_in_dim3A_3 = vector.broadcast %broadcast_in_dim3A : f32 to vector<16xf32>
    %scan3A = arith.constant 0 : i32
    %scan3A_4 = arith.constant 0 : i32
    %scan3A_5 = arith.constant 51 : i32
    %scan3A_6 = arith.addi %scan3A_4, %scan3A_5 : i32
    %scan3A_7 = arith.constant 1 : i32
    scf.for %scan3A_69 = %scan3A_4 to %scan3A_6 step %scan3A_7  : i32 {
      %swap3A = arith.index_cast %scan3A_69 : i32 to index
      %swap3A_70 = arith.constant 0 : index
      %swap3A_71 = tpu.vector_load %arg14[%swap3A, %swap3A_70] {strides = array<i32>} : memref<51x128xf32, #tpu.memory_space<vmem>>, vector<16xf32>,
      tpu.vector_store %arg14[%swap3A, %swap3A_70], %broadcast_in_dim3A_3 {strides = array<i32>} : memref<51x128xf32, #tpu.memory_space<vmem>>, vector<16xf32>,
      %swap3A_72 = arith.index_cast %scan3A_69 : i32 to index
      %swap3A_73 = arith.constant 16 : index
      %swap3A_74 = tpu.vector_load %arg14[%swap3A_72, %swap3A_73] {strides = array<i32>} : memref<51x128xf32, #tpu.memory_space<vmem>>, vector<16xf32>,
      tpu.vector_store %arg14[%swap3A_72, %swap3A_73], %broadcast_in_dim3A_3 {strides = array<i32>} : memref<51x128xf32, #tpu.memory_space<vmem>>, vector<16xf32>,
      %swap3A_75 = arith.index_cast %scan3A_69 : i32 to index
      %swap3A_76 = arith.constant 32 : index
      %swap3A_77 = tpu.vector_load %arg14[%swap3A_75, %swap3A_76] {strides = array<i32>} : memref<51x128xf32, #tpu.memory_space<vmem>>, vector<16xf32>,
      tpu.vector_store %arg14[%swap3A_75, %swap3A_76], %broadcast_in_dim3A_3 {strides = array<i32>} : memref<51x128xf32, #tpu.memory_space<vmem>>, vector<16xf32>,
      %swap3A_78 = arith.index_cast %scan3A_69 : i32 to index
      %swap3A_79 = arith.constant 48 : index
      %swap3A_80 = tpu.vector_load %arg14[%swap3A_78, %swap3A_79] {strides = array<i32>} : memref<51x128xf32, #tpu.memory_space<vmem>>, vector<16xf32>,
      tpu.vector_store %arg14[%swap3A_78, %swap3A_79], %broadcast_in_dim3A_3 {strides = array<i32>} : memref<51x128xf32, #tpu.memory_space<vmem>>, vector<16xf32>,
      %swap3A_81 = arith.index_cast %scan3A_69 : i32 to index
      %swap3A_82 = arith.constant 64 : index
      %swap3A_83 = tpu.vector_load %arg14[%swap3A_81, %swap3A_82] {strides = array<i32>} : memref<51x128xf32, #tpu.memory_space<vmem>>, vector<16xf32>,
      tpu.vector_store %arg14[%swap3A_81, %swap3A_82], %broadcast_in_dim3A_3 {strides = array<i32>} : memref<51x128xf32, #tpu.memory_space<vmem>>, vector<16xf32>,
      %swap3A_84 = arith.index_cast %scan3A_69 : i32 to index
      %swap3A_85 = arith.constant 80 : index
      %swap3A_86 = tpu.vector_load %arg14[%swap3A_84, %swap3A_85] {strides = array<i32>} : memref<51x128xf32, #tpu.memory_space<vmem>>, vector<16xf32>,
      tpu.vector_store %arg14[%swap3A_84, %swap3A_85], %broadcast_in_dim3A_3 {strides = array<i32>} : memref<51x128xf32, #tpu.memory_space<vmem>>, vector<16xf32>,
      %swap3A_87 = arith.index_cast %scan3A_69 : i32 to index
      %swap3A_88 = arith.constant 96 : index
      %swap3A_89 = tpu.vector_load %arg14[%swap3A_87, %swap3A_88] {strides = array<i32>} : memref<51x128xf32, #tpu.memory_space<vmem>>, vector<16xf32>,
      tpu.vector_store %arg14[%swap3A_87, %swap3A_88], %broadcast_in_dim3A_3 {strides = array<i32>} : memref<51x128xf32, #tpu.memory_space<vmem>>, vector<16xf32>,
      %swap3A_90 = arith.index_cast %scan3A_69 : i32 to index
      %swap3A_91 = arith.constant 112 : index
      %swap3A_92 = tpu.vector_load %arg14[%swap3A_90, %swap3A_91] {strides = array<i32>} : memref<51x128xf32, #tpu.memory_space<vmem>>, vector<16xf32>,
      tpu.vector_store %arg14[%swap3A_90, %swap3A_91], %broadcast_in_dim3A_3 {strides = array<i32>} : memref<51x128xf32, #tpu.memory_space<vmem>>, vector<16xf32>,
    }
    %scan3A_8 = arith.constant 51 : i32
    %broadcast_in_dim3A_9 = arith.constant 6400 : i32
    %broadcast_in_dim3A_10 = vector.broadcast %broadcast_in_dim3A_9 : i32 to vector<16xi32>
    %broadcast_in_dim3A_11 = arith.constant 0 : i32
    %broadcast_in_dim3A_12 = vector.broadcast %broadcast_in_dim3A_11 : i32 to vector<16xi32>
    %scan3A_13 = arith.constant 0 : i32
    %scan3A_14 = arith.constant 0 : i32
    %scan3A_15 = arith.constant 1536 : i32
    %scan3A_16 = arith.addi %scan3A_14, %scan3A_15 : i32
    %scan3A_17 = arith.constant 1 : i32
    scf.for %scan3A_69 = %scan3A_14 to %scan3A_16 step %scan3A_17  : i32 {
      %mul3A_70 = arith.constant 16 : i32
      %mul3A_71 = arith.muli %scan3A_69, %mul3A_70 : i32
      %swap3A = arith.index_cast %mul3A_71 : i32 to index
      %swap3A_72 = tpu.vector_load %arg6[%swap3A] {strides = array<i32>} : memref<24576xi32, #tpu.memory_space<vmem>>, vector<16xi32>,
      tpu.vector_store %arg6[%swap3A], %broadcast_in_dim3A_12 {strides = array<i32>} : memref<24576xi32, #tpu.memory_space<vmem>>, vector<16xi32>,
    }
    %scan3A_18 = arith.constant 1536 : i32
    %scan3A_19 = arith.constant 0 : i32
    %scan3A_20 = arith.constant 0 : i32
    %scan3A_21 = arith.constant 768 : i32
    %scan3A_22 = arith.addi %scan3A_20, %scan3A_21 : i32
    %scan3A_23 = arith.constant 1 : i32
    scf.for %scan3A_69 = %scan3A_20 to %scan3A_22 step %scan3A_23  : i32 {
      %swap3A = arith.index_cast %scan3A_69 : i32 to index
      %swap3A_70 = arith.constant 0 : index
      %swap3A_71 = tpu.vector_load %arg7[%swap3A, %swap3A_70] {strides = array<i32>} : memref<768x32xi32, #tpu.memory_space<vmem>>, vector<16xi32>,
      tpu.vector_store %arg7[%swap3A, %swap3A_70], %broadcast_in_dim3A_10 {strides = array<i32>} : memref<768x32xi32, #tpu.memory_space<vmem>>, vector<16xi32>,
      %swap3A_72 = arith.index_cast %scan3A_69 : i32 to index
      %swap3A_73 = arith.constant 16 : index
      %swap3A_74 = tpu.vector_load %arg7[%swap3A_72, %swap3A_73] {strides = array<i32>} : memref<768x32xi32, #tpu.memory_space<vmem>>, vector<16xi32>,
      tpu.vector_store %arg7[%swap3A_72, %swap3A_73], %broadcast_in_dim3A_10 {strides = array<i32>} : memref<768x32xi32, #tpu.memory_space<vmem>>, vector<16xi32>,
    }
    %scan3A_24 = arith.constant 768 : i32
    %broadcast_in_dim3A_25 = arith.constant 0 : i32
    %broadcast_in_dim3A_26 = vector.broadcast %broadcast_in_dim3A_25 : i32 to vector<16xi32>
    %scan3A_27 = arith.constant 0 : i32
    %scan3A_28 = arith.constant 21 : i32
    %scan3A_29 = arith.addi %scan3A_27, %scan3A_28 : i32
    %scan3A_30 = arith.constant 1 : i32
    %scan3A_31:4 = scf.for %scan3A_69 = %scan3A_27 to %scan3A_29 step %scan3A_30 iter_args(%scan3A_70 = %broadcast_in_dim3A_26, %scan3A_71 = %broadcast_in_dim3A_26, %scan3A_72 = %broadcast_in_dim3A_26, %scan3A_73 = %broadcast_in_dim3A_26) -> (vector<16xi32>, vector<16xi32>, vector<16xi32>, vector<16xi32>)  : i32 {
      %mul3A_74 = arith.constant 1792 : i32
      %mul3A_75 = arith.muli %scan3A_69, %mul3A_74 : i32
      %add3A_76 = arith.addi %mul3A_2, %mul3A_75 : i32
      "tpu.region"() ({
        %run_scoped3A = tpu.sem_alloc : memref<!tpu.dma_semaphore, #tpu.memory_space<semaphore_mem>>
        %dma_start3A = tpu.memref_slice %arg3[%add3A_76] : memref<602112xi32, #tpu.memory_space<hbm>> -> memref<1792xi32, #tpu.memory_space<hbm>>
        %dma_start3A_86 = tpu.memref_slice %arg3[%add3A_76] : memref<602112xi32, #tpu.memory_space<hbm>> -> memref<1792xi32, #tpu.memory_space<hbm>>
        tpu.enqueue_dma source(%dma_start3A_86 : memref<1792xi32, #tpu.memory_space<hbm>>) target(%arg8 : memref<1792xi32, #tpu.memory_space<vmem>>) target_semaphore(%run_scoped3A : memref<!tpu.dma_semaphore, #tpu.memory_space<semaphore_mem>>)
        %dma_wait3A = tpu.memref_slice %arg3[%add3A_76] : memref<602112xi32, #tpu.memory_space<hbm>> -> memref<1792xi32, #tpu.memory_space<hbm>>
        %dma_wait3A_87 = tpu.memref_slice %arg3[%add3A_76] : memref<602112xi32, #tpu.memory_space<hbm>> -> memref<1792xi32, #tpu.memory_space<hbm>>
        tpu.wait_dma2 semaphore(%run_scoped3A : memref<!tpu.dma_semaphore, #tpu.memory_space<semaphore_mem>>) src(%dma_wait3A_87 : memref<1792xi32, #tpu.memory_space<hbm>>) dst(%arg8 : memref<1792xi32, #tpu.memory_space<vmem>>)
        tpu.yield
      }) : () -> ()
      %mul3A_77 = arith.constant 1792 : i32
      %mul3A_78 = arith.muli %scan3A_69, %mul3A_77 : i32
      %add3A_79 = arith.addi %mul3A_2, %mul3A_78 : i32
      "tpu.region"() ({
        %run_scoped3A = tpu.sem_alloc : memref<!tpu.dma_semaphore, #tpu.memory_space<semaphore_mem>>
        %dma_start3A = tpu.memref_slice %arg4[%add3A_79] : memref<602112xi32, #tpu.memory_space<hbm>> -> memref<1792xi32, #tpu.memory_space<hbm>>
        %dma_start3A_86 = tpu.memref_slice %arg4[%add3A_79] : memref<602112xi32, #tpu.memory_space<hbm>> -> memref<1792xi32, #tpu.memory_space<hbm>>
        tpu.enqueue_dma source(%dma_start3A_86 : memref<1792xi32, #tpu.memory_space<hbm>>) target(%arg9 : memref<1792xi32, #tpu.memory_space<vmem>>) target_semaphore(%run_scoped3A : memref<!tpu.dma_semaphore, #tpu.memory_space<semaphore_mem>>)
        %dma_wait3A = tpu.memref_slice %arg4[%add3A_79] : memref<602112xi32, #tpu.memory_space<hbm>> -> memref<1792xi32, #tpu.memory_space<hbm>>
        %dma_wait3A_87 = tpu.memref_slice %arg4[%add3A_79] : memref<602112xi32, #tpu.memory_space<hbm>> -> memref<1792xi32, #tpu.memory_space<hbm>>
        tpu.wait_dma2 semaphore(%run_scoped3A : memref<!tpu.dma_semaphore, #tpu.memory_space<semaphore_mem>>) src(%dma_wait3A_87 : memref<1792xi32, #tpu.memory_space<hbm>>) dst(%arg9 : memref<1792xi32, #tpu.memory_space<vmem>>)
        tpu.yield
      }) : () -> ()
      %scan3A_80 = arith.constant 0 : i32
      %scan3A_81 = arith.constant 112 : i32
      %scan3A_82 = arith.addi %scan3A_80, %scan3A_81 : i32
      %scan3A_83 = arith.constant 1 : i32
      %scan3A_84:4 = scf.for %scan3A_86 = %scan3A_80 to %scan3A_82 step %scan3A_83 iter_args(%scan3A_87 = %scan3A_70, %scan3A_88 = %scan3A_71, %scan3A_89 = %scan3A_72, %scan3A_90 = %scan3A_73) -> (vector<16xi32>, vector<16xi32>, vector<16xi32>, vector<16xi32>)  : i32 {
        %mul3A_91 = arith.constant 16 : i32
        %mul3A_92 = arith.muli %scan3A_86, %mul3A_91 : i32
        %get3A = arith.index_cast %mul3A_92 : i32 to index
        %get3A_93 = tpu.vector_load %arg8[%get3A] {strides = array<i32>} : memref<1792xi32, #tpu.memory_space<vmem>>, vector<16xi32>,
        %mul3A_94 = arith.constant 16 : i32
        %mul3A_95 = arith.muli %scan3A_86, %mul3A_94 : i32
        %get3A_96 = arith.index_cast %mul3A_95 : i32 to index
        %get3A_97 = tpu.vector_load %arg9[%get3A_96] {strides = array<i32>} : memref<1792xi32, #tpu.memory_space<vmem>>, vector<16xi32>,
        %add3A_98 = arith.constant 0 : i32
        %add3A_99 = arith.addi %mul3A_0, %add3A_98 : i32
        %ge3A = vector.broadcast %add3A_99 : i32 to vector<16xi32>
        %ge3A_100 = arith.cmpi sge, %get3A_97, %ge3A : vector<16xi32>
        %add3A_101 = arith.constant 6400 : i32
        %add3A_102 = arith.addi %add3A_99, %add3A_101 : i32
        %lt3A = vector.broadcast %add3A_102 : i32 to vector<16xi32>
        %lt3A_103 = arith.cmpi slt, %get3A_97, %lt3A : vector<16xi32>
        %and3A_104 = arith.andi %ge3A_100, %lt3A_103 : vector<16xi1>
        %convert_element_type3A = arith.extui %and3A_104 : vector<16xi1> to vector<16xi32>
        %add3A_105 = arith.constant 0 : i32
        %add3A_106 = vector.broadcast %add3A_105 : i32 to vector<16xi32>
        %add3A_107 = arith.addi %add3A_106, %scan3A_87 : vector<16xi32>
        %broadcast_in_dim3A_108 = arith.constant true
        %broadcast_in_dim3A_109 = vector.broadcast %broadcast_in_dim3A_108 : i1 to vector<16xi1>
        %masked_cumsum3A = tpu.scan <sum>, %convert_element_type3A masked %broadcast_in_dim3A_109 : vector<16xi32>, vector<16xi1> -> vector<16xi32>
        %add3A_110 = arith.addi %add3A_107, %masked_cumsum3A : vector<16xi32>
        %sub3A_111 = arith.constant 1 : i32
        %sub3A_112 = vector.broadcast %sub3A_111 : i32 to vector<16xi32>
        %sub3A_113 = arith.subi %add3A_110, %sub3A_112 : vector<16xi32>
        tpu.vector_store_idx %arg6[%sub3A_113], %get3A_93 masked %and3A_104 : memref<24576xi32, #tpu.memory_space<vmem>>[vector<16xi32>], vector<16xi32>, vector<16xi1>
        %shift_right_logical3A = arith.constant 5 : i32
        %shift_right_logical3A_114 = vector.broadcast %shift_right_logical3A : i32 to vector<16xi32>
        %shift_right_logical3A_115 = arith.shrui %sub3A_113, %shift_right_logical3A_114 : vector<16xi32>
        %and3A_116 = arith.constant 31 : i32
        %and3A_117 = vector.broadcast %and3A_116 : i32 to vector<16xi32>
        %and3A_118 = arith.andi %sub3A_113, %and3A_117 : vector<16xi32>
        %sub3A_119 = vector.broadcast %add3A_99 : i32 to vector<16xi32>
        %sub3A_120 = arith.subi %get3A_97, %sub3A_119 : vector<16xi32>
        tpu.vector_store_idx %arg7[%shift_right_logical3A_115, %and3A_118], %sub3A_120 masked %and3A_104 : memref<768x32xi32, #tpu.memory_space<vmem>>[vector<16xi32>, vector<16xi32>], vector<16xi32>, vector<16xi1>
        %all_reduce_population_count3A = tpu.all_reduce %and3A_104 {dim = 0 : i64, kind = #tpu.reduction_kind<sum>} : vector<16xi1> -> vector<16xi32>
        %add3A_121 = arith.addi %scan3A_87, %all_reduce_population_count3A : vector<16xi32>
        %min3A = arith.constant 6016 : i32
        %min3A_122 = vector.broadcast %min3A : i32 to vector<16xi32>
        %min3A_123 = arith.minsi %add3A_121, %min3A_122 : vector<16xi32>
        %add3A_124 = arith.constant 6400 : i32
        %add3A_125 = arith.addi %mul3A_0, %add3A_124 : i32
        %ge3A_126 = vector.broadcast %add3A_125 : i32 to vector<16xi32>
        %ge3A_127 = arith.cmpi sge, %get3A_97, %ge3A_126 : vector<16xi32>
        %add3A_128 = arith.constant 6400 : i32
        %add3A_129 = arith.addi %add3A_125, %add3A_128 : i32
        %lt3A_130 = vector.broadcast %add3A_129 : i32 to vector<16xi32>
        %lt3A_131 = arith.cmpi slt, %get3A_97, %lt3A_130 : vector<16xi32>
        %and3A_132 = arith.andi %ge3A_127, %lt3A_131 : vector<16xi1>
        %convert_element_type3A_133 = arith.extui %and3A_132 : vector<16xi1> to vector<16xi32>
        %add3A_134 = arith.constant 6144 : i32
        %add3A_135 = vector.broadcast %add3A_134 : i32 to vector<16xi32>
        %add3A_136 = arith.addi %add3A_135, %scan3A_88 : vector<16xi32>
        %broadcast_in_dim3A_137 = arith.constant true
        %broadcast_in_dim3A_138 = vector.broadcast %broadcast_in_dim3A_137 : i1 to vector<16xi1>
        %masked_cumsum3A_139 = tpu.scan <sum>, %convert_element_type3A_133 masked %broadcast_in_dim3A_138 : vector<16xi32>, vector<16xi1> -> vector<16xi32>
        %add3A_140 = arith.addi %add3A_136, %masked_cumsum3A_139 : vector<16xi32>
        %sub3A_141 = arith.constant 1 : i32
        %sub3A_142 = vector.broadcast %sub3A_141 : i32 to vector<16xi32>
        %sub3A_143 = arith.subi %add3A_140, %sub3A_142 : vector<16xi32>
        tpu.vector_store_idx %arg6[%sub3A_143], %get3A_93 masked %and3A_132 : memref<24576xi32, #tpu.memory_space<vmem>>[vector<16xi32>], vector<16xi32>, vector<16xi1>
        %shift_right_logical3A_144 = arith.constant 5 : i32
        %shift_right_logical3A_145 = vector.broadcast %shift_right_logical3A_144 : i32 to vector<16xi32>
        %shift_right_logical3A_146 = arith.shrui %sub3A_143, %shift_right_logical3A_145 : vector<16xi32>
        %and3A_147 = arith.constant 31 : i32
        %and3A_148 = vector.broadcast %and3A_147 : i32 to vector<16xi32>
        %and3A_149 = arith.andi %sub3A_143, %and3A_148 : vector<16xi32>
        %sub3A_150 = vector.broadcast %add3A_125 : i32 to vector<16xi32>
        %sub3A_151 = arith.subi %get3A_97, %sub3A_150 : vector<16xi32>
        tpu.vector_store_idx %arg7[%shift_right_logical3A_146, %and3A_149], %sub3A_151 masked %and3A_132 : memref<768x32xi32, #tpu.memory_space<vmem>>[vector<16xi32>, vector<16xi32>], vector<16xi32>, vector<16xi1>
        %all_reduce_population_count3A_152 = tpu.all_reduce %and3A_132 {dim = 0 : i64, kind = #tpu.reduction_kind<sum>} : vector<16xi1> -> vector<16xi32>
        %add3A_153 = arith.addi %scan3A_88, %all_reduce_population_count3A_152 : vector<16xi32>
        %min3A_154 = arith.constant 6016 : i32
        %min3A_155 = vector.broadcast %min3A_154 : i32 to vector<16xi32>
        %min3A_156 = arith.minsi %add3A_153, %min3A_155 : vector<16xi32>
        %add3A_157 = arith.constant 12800 : i32
        %add3A_158 = arith.addi %mul3A_0, %add3A_157 : i32
        %ge3A_159 = vector.broadcast %add3A_158 : i32 to vector<16xi32>
        %ge3A_160 = arith.cmpi sge, %get3A_97, %ge3A_159 : vector<16xi32>
        %add3A_161 = arith.constant 6400 : i32
        %add3A_162 = arith.addi %add3A_158, %add3A_161 : i32
        %lt3A_163 = vector.broadcast %add3A_162 : i32 to vector<16xi32>
        %lt3A_164 = arith.cmpi slt, %get3A_97, %lt3A_163 : vector<16xi32>
        %and3A_165 = arith.andi %ge3A_160, %lt3A_164 : vector<16xi1>
        %convert_element_type3A_166 = arith.extui %and3A_165 : vector<16xi1> to vector<16xi32>
        %add3A_167 = arith.constant 12288 : i32
        %add3A_168 = vector.broadcast %add3A_167 : i32 to vector<16xi32>
        %add3A_169 = arith.addi %add3A_168, %scan3A_89 : vector<16xi32>
        %broadcast_in_dim3A_170 = arith.constant true
        %broadcast_in_dim3A_171 = vector.broadcast %broadcast_in_dim3A_170 : i1 to vector<16xi1>
        %masked_cumsum3A_172 = tpu.scan <sum>, %convert_element_type3A_166 masked %broadcast_in_dim3A_171 : vector<16xi32>, vector<16xi1> -> vector<16xi32>
        %add3A_173 = arith.addi %add3A_169, %masked_cumsum3A_172 : vector<16xi32>
        %sub3A_174 = arith.constant 1 : i32
        %sub3A_175 = vector.broadcast %sub3A_174 : i32 to vector<16xi32>
        %sub3A_176 = arith.subi %add3A_173, %sub3A_175 : vector<16xi32>
        tpu.vector_store_idx %arg6[%sub3A_176], %get3A_93 masked %and3A_165 : memref<24576xi32, #tpu.memory_space<vmem>>[vector<16xi32>], vector<16xi32>, vector<16xi1>
        %shift_right_logical3A_177 = arith.constant 5 : i32
        %shift_right_logical3A_178 = vector.broadcast %shift_right_logical3A_177 : i32 to vector<16xi32>
        %shift_right_logical3A_179 = arith.shrui %sub3A_176, %shift_right_logical3A_178 : vector<16xi32>
        %and3A_180 = arith.constant 31 : i32
        %and3A_181 = vector.broadcast %and3A_180 : i32 to vector<16xi32>
        %and3A_182 = arith.andi %sub3A_176, %and3A_181 : vector<16xi32>
        %sub3A_183 = vector.broadcast %add3A_158 : i32 to vector<16xi32>
        %sub3A_184 = arith.subi %get3A_97, %sub3A_183 : vector<16xi32>
        tpu.vector_store_idx %arg7[%shift_right_logical3A_179, %and3A_182], %sub3A_184 masked %and3A_165 : memref<768x32xi32, #tpu.memory_space<vmem>>[vector<16xi32>, vector<16xi32>], vector<16xi32>, vector<16xi1>
        %all_reduce_population_count3A_185 = tpu.all_reduce %and3A_165 {dim = 0 : i64, kind = #tpu.reduction_kind<sum>} : vector<16xi1> -> vector<16xi32>
        %add3A_186 = arith.addi %scan3A_89, %all_reduce_population_count3A_185 : vector<16xi32>
        %min3A_187 = arith.constant 6016 : i32
        %min3A_188 = vector.broadcast %min3A_187 : i32 to vector<16xi32>
        %min3A_189 = arith.minsi %add3A_186, %min3A_188 : vector<16xi32>
        %add3A_190 = arith.constant 19200 : i32
        %add3A_191 = arith.addi %mul3A_0, %add3A_190 : i32
        %ge3A_192 = vector.broadcast %add3A_191 : i32 to vector<16xi32>
        %ge3A_193 = arith.cmpi sge, %get3A_97, %ge3A_192 : vector<16xi32>
        %add3A_194 = arith.constant 6400 : i32
        %add3A_195 = arith.addi %add3A_191, %add3A_194 : i32
        %lt3A_196 = vector.broadcast %add3A_195 : i32 to vector<16xi32>
        %lt3A_197 = arith.cmpi slt, %get3A_97, %lt3A_196 : vector<16xi32>
        %and3A_198 = arith.andi %ge3A_193, %lt3A_197 : vector<16xi1>
        %convert_element_type3A_199 = arith.extui %and3A_198 : vector<16xi1> to vector<16xi32>
        %add3A_200 = arith.constant 18432 : i32
        %add3A_201 = vector.broadcast %add3A_200 : i32 to vector<16xi32>
        %add3A_202 = arith.addi %add3A_201, %scan3A_90 : vector<16xi32>
        %broadcast_in_dim3A_203 = arith.constant true
        %broadcast_in_dim3A_204 = vector.broadcast %broadcast_in_dim3A_203 : i1 to vector<16xi1>
        %masked_cumsum3A_205 = tpu.scan <sum>, %convert_element_type3A_199 masked %broadcast_in_dim3A_204 : vector<16xi32>, vector<16xi1> -> vector<16xi32>
        %add3A_206 = arith.addi %add3A_202, %masked_cumsum3A_205 : vector<16xi32>
        %sub3A_207 = arith.constant 1 : i32
        %sub3A_208 = vector.broadcast %sub3A_207 : i32 to vector<16xi32>
        %sub3A_209 = arith.subi %add3A_206, %sub3A_208 : vector<16xi32>
        tpu.vector_store_idx %arg6[%sub3A_209], %get3A_93 masked %and3A_198 : memref<24576xi32, #tpu.memory_space<vmem>>[vector<16xi32>], vector<16xi32>, vector<16xi1>
        %shift_right_logical3A_210 = arith.constant 5 : i32
        %shift_right_logical3A_211 = vector.broadcast %shift_right_logical3A_210 : i32 to vector<16xi32>
        %shift_right_logical3A_212 = arith.shrui %sub3A_209, %shift_right_logical3A_211 : vector<16xi32>
        %and3A_213 = arith.constant 31 : i32
        %and3A_214 = vector.broadcast %and3A_213 : i32 to vector<16xi32>
        %and3A_215 = arith.andi %sub3A_209, %and3A_214 : vector<16xi32>
        %sub3A_216 = vector.broadcast %add3A_191 : i32 to vector<16xi32>
        %sub3A_217 = arith.subi %get3A_97, %sub3A_216 : vector<16xi32>
        tpu.vector_store_idx %arg7[%shift_right_logical3A_212, %and3A_215], %sub3A_217 masked %and3A_198 : memref<768x32xi32, #tpu.memory_space<vmem>>[vector<16xi32>, vector<16xi32>], vector<16xi32>, vector<16xi1>
        %all_reduce_population_count3A_218 = tpu.all_reduce %and3A_198 {dim = 0 : i64, kind = #tpu.reduction_kind<sum>} : vector<16xi1> -> vector<16xi32>
        %add3A_219 = arith.addi %scan3A_90, %all_reduce_population_count3A_218 : vector<16xi32>
        %min3A_220 = arith.constant 6016 : i32
        %min3A_221 = vector.broadcast %min3A_220 : i32 to vector<16xi32>
        %min3A_222 = arith.minsi %add3A_219, %min3A_221 : vector<16xi32>
        scf.yield %min3A_123, %min3A_156, %min3A_189, %min3A_222 : vector<16xi32>, vector<16xi32>, vector<16xi32>, vector<16xi32>
      }
      %scan3A_85 = arith.constant 112 : i32
      scf.yield %scan3A_84#0, %scan3A_84#1, %scan3A_84#2, %scan3A_84#3 : vector<16xi32>, vector<16xi32>, vector<16xi32>, vector<16xi32>
    }
    %scan3A_32 = arith.constant 21 : i32
    %max3A = arith.maxsi %scan3A_31#0, %scan3A_31#1 : vector<16xi32>
    %max3A_33 = arith.maxsi %max3A, %scan3A_31#2 : vector<16xi32>
    %max3A_34 = arith.maxsi %max3A_33, %scan3A_31#3 : vector<16xi32>
    %reduce_max3A = arith.constant true
    %reduce_max3A_35 = vector.broadcast %reduce_max3A : i1 to vector<16xi1>
    %reduce_max3A_36 = arith.constant -2147483648 : i32
    %reduce_max3A_37 = vector.broadcast %reduce_max3A_36 : i32 to vector<16xi32>
    %reduce_max3A_38 = arith.xori %max3A_34, %reduce_max3A_37 : vector<16xi32>
    %reduce_max3A_39 = tpu.scan <max>, %reduce_max3A_38 masked %reduce_max3A_35 : vector<16xi32>, vector<16xi1> -> vector<16xi32>
    %reduce_max3A_40 = arith.xori %reduce_max3A_39, %reduce_max3A_37 : vector<16xi32>
    %reduce_max3A_41 = vector.extract %reduce_max3A_40[15] : i32 from vector<16xi32>
    %add3A = arith.constant 128 : i32
    %add3A_42 = arith.addi %reduce_max3A_41, %add3A : i32
    %sub3A = arith.constant 1 : i32
    %sub3A_43 = arith.subi %add3A_42, %sub3A : i32
    %jit3A = arith.constant 128 : i32
    %div3A = arith.divsi %sub3A_43, %jit3A : i32
    %sign3A = arith.constant 0 : i32
    %sign3A_44 = arith.cmpi sgt, %sub3A_43, %sign3A : i32
    %sign3A_45 = arith.extui %sign3A_44 : i1 to i32
    %sign3A_46 = arith.constant 0 : i32
    %sign3A_47 = arith.cmpi slt, %sub3A_43, %sign3A_46 : i32
    %sign3A_48 = arith.extui %sign3A_47 : i1 to i32
    %sign3A_49 = arith.subi %sign3A_45, %sign3A_48 : i32
    %sign3A_50 = arith.constant 0 : i32
    %sign3A_51 = arith.cmpi sgt, %jit3A, %sign3A_50 : i32
    %sign3A_52 = arith.extui %sign3A_51 : i1 to i32
    %sign3A_53 = arith.constant 0 : i32
    %sign3A_54 = arith.cmpi slt, %jit3A, %sign3A_53 : i32
    %sign3A_55 = arith.extui %sign3A_54 : i1 to i32
    %sign3A_56 = arith.subi %sign3A_52, %sign3A_55 : i32
    %ne3A = arith.cmpi ne, %sign3A_49, %sign3A_56 : i32
    %rem3A = arith.remsi %sub3A_43, %jit3A : i32
    %ne3A_57 = arith.constant 0 : i32
    %ne3A_58 = arith.cmpi ne, %rem3A, %ne3A_57 : i32
    %and3A = arith.andi %ne3A, %ne3A_58 : i1
    %sub3A_59 = arith.constant 1 : i32
    %sub3A_60 = arith.subi %div3A, %sub3A_59 : i32
    %select_n3A = arith.select %and3A, %sub3A_60, %div3A : i32
    %mul3A_61 = arith.constant 4 : i32
    %mul3A_62 = arith.muli %select_n3A, %mul3A_61 : i32
    %scan3A_63 = arith.constant 0 : i32
    %scan3A_64 = arith.constant 0 : i32
    %scan3A_65 = arith.constant 4 : i32
    %scan3A_66 = arith.addi %scan3A_64, %scan3A_65 : i32
    %scan3A_67 = arith.constant 1 : i32
    scf.for %scan3A_69 = %scan3A_64 to %scan3A_66 step %scan3A_67  : i32 {
      %scan3A_70 = arith.constant 0 : i32
      %scan3A_71 = arith.constant 0 : i32
      %scan3A_72 = arith.constant 8 : i32
      %scan3A_73 = arith.addi %scan3A_71, %scan3A_72 : i32
      %scan3A_74 = arith.constant 1 : i32
      scf.for %scan3A_97 = %scan3A_71 to %scan3A_73 step %scan3A_74  : i32 {
        %mul3A_98 = arith.constant 408 : i32
        %mul3A_99 = arith.muli %arg1, %mul3A_98 : i32
        %mul3A_100 = arith.constant 51 : i32
        %mul3A_101 = arith.muli %scan3A_97, %mul3A_100 : i32
        %add3A_102 = arith.addi %mul3A_99, %mul3A_101 : i32
        "tpu.region"() ({
          %run_scoped3A = tpu.sem_alloc : memref<!tpu.dma_semaphore, #tpu.memory_space<semaphore_mem>>
          %dma_start3A = arith.constant 0 : i32
          %dma_start3A_103 = tpu.memref_slice %arg15[%add3A_102, %dma_start3A] : memref<6528x128xf32, #tpu.memory_space<vmem_shared>> -> memref<51x128xf32, #tpu.memory_space<vmem_shared>>
          %dma_start3A_104 = arith.constant 0 : i32
          %dma_start3A_105 = tpu.memref_slice %arg15[%add3A_102, %dma_start3A_104] : memref<6528x128xf32, #tpu.memory_space<vmem_shared>> -> memref<51x128xf32, #tpu.memory_space<vmem_shared>>
          tpu.enqueue_dma source(%arg14 : memref<51x128xf32, #tpu.memory_space<vmem>>) target(%dma_start3A_105 : memref<51x128xf32, #tpu.memory_space<vmem_shared>>) target_semaphore(%run_scoped3A : memref<!tpu.dma_semaphore, #tpu.memory_space<semaphore_mem>>)
          %dma_wait3A = arith.constant 0 : i32
          %dma_wait3A_106 = tpu.memref_slice %arg15[%add3A_102, %dma_wait3A] : memref<6528x128xf32, #tpu.memory_space<vmem_shared>> -> memref<51x128xf32, #tpu.memory_space<vmem_shared>>
          %dma_wait3A_107 = arith.constant 0 : i32
          %dma_wait3A_108 = tpu.memref_slice %arg15[%add3A_102, %dma_wait3A_107] : memref<6528x128xf32, #tpu.memory_space<vmem_shared>> -> memref<51x128xf32, #tpu.memory_space<vmem_shared>>
          tpu.wait_dma2 semaphore(%run_scoped3A : memref<!tpu.dma_semaphore, #tpu.memory_space<semaphore_mem>>) src(%arg14 : memref<51x128xf32, #tpu.memory_space<vmem>>) dst(%dma_wait3A_108 : memref<51x128xf32, #tpu.memory_space<vmem_shared>>)
          tpu.yield
        }) : () -> ()
      }
      %scan3A_75 = arith.constant 8 : i32
      %barrier3A = arith.constant 0 : index
      tpu.barrier barrier_id(%barrier3A)
      %gt3A = arith.constant 0 : i32
      %gt3A_76 = arith.cmpi sgt, %select_n3A, %gt3A : i32
      %convert_element_type3A = arith.extui %gt3A_76 : i1 to i32
      %cond3A = arith.constant 0 : i32
      %cond3A_77 = arith.cmpi ne, %convert_element_type3A, %cond3A : i32
      scf.if %cond3A_77 {
        %mul3A_97 = arith.constant 6144 : i32
        %mul3A_98 = arith.muli %scan3A_69, %mul3A_97 : i32
        %add3A_99 = arith.constant 0 : i32
        %add3A_100 = arith.addi %mul3A_98, %add3A_99 : i32
        %dma_start3A = tpu.memref_slice %arg6[%add3A_100] : memref<24576xi32, #tpu.memory_space<vmem>> -> memref<32xi32, #tpu.memory_space<vmem>>
        %dma_start3A_101 = arith.constant 0 : i32
        %dma_start3A_102 = arith.constant 0 : i32
        %dma_start3A_103 = tpu.memref_slice %arg2[%dma_start3A_101, %dma_start3A_102] : memref<150000x128xf32, #tpu.memory_space<hbm>> -> memref<150000x128xf32, #tpu.memory_space<hbm>>
        tpu.enqueue_indirect_dma source(%dma_start3A_103 : memref<150000x128xf32, #tpu.memory_space<hbm>>) target(%arg10 : memref<32x128xf32, #tpu.memory_space<vmem>>) offsets(%dma_start3A : memref<32xi32, #tpu.memory_space<vmem>>) semaphore(%arg16 : memref<!tpu.dma_semaphore, #tpu.memory_space<semaphore_mem>>)
        %mul3A_104 = arith.constant 6144 : i32
        %mul3A_105 = arith.muli %scan3A_69, %mul3A_104 : i32
        %add3A_106 = arith.constant 32 : i32
        %add3A_107 = arith.addi %mul3A_105, %add3A_106 : i32
        %dma_start3A_108 = tpu.memref_slice %arg6[%add3A_107] : memref<24576xi32, #tpu.memory_space<vmem>> -> memref<32xi32, #tpu.memory_space<vmem>>
        %dma_start3A_109 = arith.constant 0 : i32
        %dma_start3A_110 = arith.constant 0 : i32
        %dma_start3A_111 = tpu.memref_slice %arg2[%dma_start3A_109, %dma_start3A_110] : memref<150000x128xf32, #tpu.memory_space<hbm>> -> memref<150000x128xf32, #tpu.memory_space<hbm>>
        tpu.enqueue_indirect_dma source(%dma_start3A_111 : memref<150000x128xf32, #tpu.memory_space<hbm>>) target(%arg11 : memref<32x128xf32, #tpu.memory_space<vmem>>) offsets(%dma_start3A_108 : memref<32xi32, #tpu.memory_space<vmem>>) semaphore(%arg17 : memref<!tpu.dma_semaphore, #tpu.memory_space<semaphore_mem>>)
        %mul3A_112 = arith.constant 6144 : i32
        %mul3A_113 = arith.muli %scan3A_69, %mul3A_112 : i32
        %add3A_114 = arith.constant 64 : i32
        %add3A_115 = arith.addi %mul3A_113, %add3A_114 : i32
        %dma_start3A_116 = tpu.memref_slice %arg6[%add3A_115] : memref<24576xi32, #tpu.memory_space<vmem>> -> memref<32xi32, #tpu.memory_space<vmem>>
        %dma_start3A_117 = arith.constant 0 : i32
        %dma_start3A_118 = arith.constant 0 : i32
        %dma_start3A_119 = tpu.memref_slice %arg2[%dma_start3A_117, %dma_start3A_118] : memref<150000x128xf32, #tpu.memory_space<hbm>> -> memref<150000x128xf32, #tpu.memory_space<hbm>>
        tpu.enqueue_indirect_dma source(%dma_start3A_119 : memref<150000x128xf32, #tpu.memory_space<hbm>>) target(%arg12 : memref<32x128xf32, #tpu.memory_space<vmem>>) offsets(%dma_start3A_116 : memref<32xi32, #tpu.memory_space<vmem>>) semaphore(%arg18 : memref<!tpu.dma_semaphore, #tpu.memory_space<semaphore_mem>>)
      } else {
      }
      %while3A = arith.constant 0 : i32
      %while3A_78 = arith.constant 0 : i32
      %while3A_79 = arith.subi %select_n3A, %while3A_78 : i32
      %while3A_80 = arith.addi %while3A_78, %while3A_79 : i32
      %while3A_81 = arith.constant 1 : i32
      %while3A_82 = arith.divsi %while3A_79, %while3A_81 : i32
      %while3A_83 = arith.muli %while3A_82, %while3A_81 : i32
      %while3A_84 = arith.addi %while3A_78, %while3A_83 : i32
      %while3A_85 = arith.constant 1 : i32
      scf.for %while3A_97 = %while3A_78 to %while3A_84 step %while3A_85  : i32 {
        %mul3A_98 = arith.constant 4 : i32
        %mul3A_99 = arith.muli %mul3A_98, %while3A_97 : i32
        %add3A_100 = arith.constant 0 : i32
        %add3A_101 = arith.addi %mul3A_99, %add3A_100 : i32
        %mul3A_102 = arith.constant 6144 : i32
        %mul3A_103 = arith.muli %scan3A_69, %mul3A_102 : i32
        %mul3A_104 = arith.constant 32 : i32
        %mul3A_105 = arith.muli %add3A_101, %mul3A_104 : i32
        %add3A_106 = arith.addi %mul3A_103, %mul3A_105 : i32
        %dma_wait3A = tpu.memref_slice %arg6[%add3A_106] : memref<24576xi32, #tpu.memory_space<vmem>> -> memref<32xi32, #tpu.memory_space<vmem>>
        %dma_wait3A_107 = arith.constant 0 : i32
        %dma_wait3A_108 = arith.constant 0 : i32
        %dma_wait3A_109 = tpu.memref_slice %arg2[%dma_wait3A_107, %dma_wait3A_108] : memref<150000x128xf32, #tpu.memory_space<hbm>> -> memref<150000x128xf32, #tpu.memory_space<hbm>>
        tpu.wait_indirect_dma semaphore(%arg16 : memref<!tpu.dma_semaphore, #tpu.memory_space<semaphore_mem>>) src(%dma_wait3A_109 : memref<150000x128xf32, #tpu.memory_space<hbm>>) dst(%arg10 : memref<32x128xf32, #tpu.memory_space<vmem>>)
        %mul3A_110 = arith.constant 192 : i32
        %mul3A_111 = arith.muli %scan3A_69, %mul3A_110 : i32
        %add3A_112 = arith.addi %mul3A_111, %add3A_101 : i32
        "tpu.region"() ({
          %run_scoped3A = tpu.sem_alloc : memref<!tpu.dma_semaphore, #tpu.memory_space<semaphore_mem>>
          %dma_start3A = arith.constant 0 : i32
          %dma_start3A_192 = tpu.memref_slice %arg7[%add3A_112, %dma_start3A] : memref<768x32xi32, #tpu.memory_space<vmem>> -> memref<1x32xi32, #tpu.memory_space<vmem>>
          %dma_start3A_193 = tpu.memref_squeeze %dma_start3A_192 : memref<1x32xi32, #tpu.memory_space<vmem>> -> memref<32xi32, #tpu.memory_space<vmem>>
          %dma_start3A_194 = arith.constant 0 : i32
          %dma_start3A_195 = arith.constant 0 : i32
          %dma_start3A_196 = tpu.memref_slice %arg15[%dma_start3A_194, %dma_start3A_195] : memref<6528x128xf32, #tpu.memory_space<vmem_shared>> -> memref<6528x128xf32, #tpu.memory_space<vmem_shared>>
          tpu.enqueue_indirect_dma source(%arg10 : memref<32x128xf32, #tpu.memory_space<vmem>>) target(%dma_start3A_196 : memref<6528x128xf32, #tpu.memory_space<vmem_shared>>) offsets(%dma_start3A_193 : memref<32xi32, #tpu.memory_space<vmem>>) semaphore(%run_scoped3A : memref<!tpu.dma_semaphore, #tpu.memory_space<semaphore_mem>>) {add = true}
          %dma_wait3A_197 = arith.constant 0 : i32
          %dma_wait3A_198 = tpu.memref_slice %arg7[%add3A_112, %dma_wait3A_197] : memref<768x32xi32, #tpu.memory_space<vmem>> -> memref<1x32xi32, #tpu.memory_space<vmem>>
          %dma_wait3A_199 = tpu.memref_squeeze %dma_wait3A_198 : memref<1x32xi32, #tpu.memory_space<vmem>> -> memref<32xi32, #tpu.memory_space<vmem>>
          %dma_wait3A_200 = arith.constant 0 : i32
          %dma_wait3A_201 = arith.constant 0 : i32
          %dma_wait3A_202 = tpu.memref_slice %arg15[%dma_wait3A_200, %dma_wait3A_201] : memref<6528x128xf32, #tpu.memory_space<vmem_shared>> -> memref<6528x128xf32, #tpu.memory_space<vmem_shared>>
          tpu.wait_indirect_dma semaphore(%run_scoped3A : memref<!tpu.dma_semaphore, #tpu.memory_space<semaphore_mem>>) src(%arg10 : memref<32x128xf32, #tpu.memory_space<vmem>>) dst(%dma_wait3A_202 : memref<6528x128xf32, #tpu.memory_space<vmem_shared>>)
          tpu.yield
        }) : () -> ()
        %add3A_113 = arith.constant 4 : i32
        %add3A_114 = arith.addi %add3A_101, %add3A_113 : i32
        %sub3A_115 = arith.constant 1 : i32
        %sub3A_116 = arith.subi %add3A_114, %sub3A_115 : i32
        %lt3A = arith.cmpi slt, %sub3A_116, %mul3A_62 : i32
        %convert_element_type3A_117 = arith.extui %lt3A : i1 to i32
        %cond3A_118 = arith.constant 0 : i32
        %cond3A_119 = arith.cmpi ne, %convert_element_type3A_117, %cond3A_118 : i32
        scf.if %cond3A_119 {
          %add3A_192 = arith.constant 4 : i32
          %add3A_193 = arith.addi %add3A_101, %add3A_192 : i32
          %sub3A_194 = arith.constant 1 : i32
          %sub3A_195 = arith.subi %add3A_193, %sub3A_194 : i32
          %mul3A_196 = arith.constant 6144 : i32
          %mul3A_197 = arith.muli %scan3A_69, %mul3A_196 : i32
          %mul3A_198 = arith.constant 32 : i32
          %mul3A_199 = arith.muli %sub3A_195, %mul3A_198 : i32
          %add3A_200 = arith.addi %mul3A_197, %mul3A_199 : i32
          %dma_start3A = tpu.memref_slice %arg6[%add3A_200] : memref<24576xi32, #tpu.memory_space<vmem>> -> memref<32xi32, #tpu.memory_space<vmem>>
          %dma_start3A_201 = arith.constant 0 : i32
          %dma_start3A_202 = arith.constant 0 : i32
          %dma_start3A_203 = tpu.memref_slice %arg2[%dma_start3A_201, %dma_start3A_202] : memref<150000x128xf32, #tpu.memory_space<hbm>> -> memref<150000x128xf32, #tpu.memory_space<hbm>>
          tpu.enqueue_indirect_dma source(%dma_start3A_203 : memref<150000x128xf32, #tpu.memory_space<hbm>>) target(%arg13 : memref<32x128xf32, #tpu.memory_space<vmem>>) offsets(%dma_start3A : memref<32xi32, #tpu.memory_space<vmem>>) semaphore(%arg19 : memref<!tpu.dma_semaphore, #tpu.memory_space<semaphore_mem>>)
        } else {
        }
        %mul3A_120 = arith.constant 4 : i32
        %mul3A_121 = arith.muli %mul3A_120, %while3A_97 : i32
        %add3A_122 = arith.constant 1 : i32
        %add3A_123 = arith.addi %mul3A_121, %add3A_122 : i32
        %mul3A_124 = arith.constant 6144 : i32
        %mul3A_125 = arith.muli %scan3A_69, %mul3A_124 : i32
        %mul3A_126 = arith.constant 32 : i32
        %mul3A_127 = arith.muli %add3A_123, %mul3A_126 : i32
        %add3A_128 = arith.addi %mul3A_125, %mul3A_127 : i32
        %dma_wait3A_129 = tpu.memref_slice %arg6[%add3A_128] : memref<24576xi32, #tpu.memory_space<vmem>> -> memref<32xi32, #tpu.memory_space<vmem>>
        %dma_wait3A_130 = arith.constant 0 : i32
        %dma_wait3A_131 = arith.constant 0 : i32
        %dma_wait3A_132 = tpu.memref_slice %arg2[%dma_wait3A_130, %dma_wait3A_131] : memref<150000x128xf32, #tpu.memory_space<hbm>> -> memref<150000x128xf32, #tpu.memory_space<hbm>>
        tpu.wait_indirect_dma semaphore(%arg17 : memref<!tpu.dma_semaphore, #tpu.memory_space<semaphore_mem>>) src(%dma_wait3A_132 : memref<150000x128xf32, #tpu.memory_space<hbm>>) dst(%arg11 : memref<32x128xf32, #tpu.memory_space<vmem>>)
        %mul3A_133 = arith.constant 192 : i32
        %mul3A_134 = arith.muli %scan3A_69, %mul3A_133 : i32
        %add3A_135 = arith.addi %mul3A_134, %add3A_123 : i32
        "tpu.region"() ({
          %run_scoped3A = tpu.sem_alloc : memref<!tpu.dma_semaphore, #tpu.memory_space<semaphore_mem>>
          %dma_start3A = arith.constant 0 : i32
          %dma_start3A_192 = tpu.memref_slice %arg7[%add3A_135, %dma_start3A] : memref<768x32xi32, #tpu.memory_space<vmem>> -> memref<1x32xi32, #tpu.memory_space<vmem>>
          %dma_start3A_193 = tpu.memref_squeeze %dma_start3A_192 : memref<1x32xi32, #tpu.memory_space<vmem>> -> memref<32xi32, #tpu.memory_space<vmem>>
          %dma_start3A_194 = arith.constant 0 : i32
          %dma_start3A_195 = arith.constant 0 : i32
          %dma_start3A_196 = tpu.memref_slice %arg15[%dma_start3A_194, %dma_start3A_195] : memref<6528x128xf32, #tpu.memory_space<vmem_shared>> -> memref<6528x128xf32, #tpu.memory_space<vmem_shared>>
          tpu.enqueue_indirect_dma source(%arg11 : memref<32x128xf32, #tpu.memory_space<vmem>>) target(%dma_start3A_196 : memref<6528x128xf32, #tpu.memory_space<vmem_shared>>) offsets(%dma_start3A_193 : memref<32xi32, #tpu.memory_space<vmem>>) semaphore(%run_scoped3A : memref<!tpu.dma_semaphore, #tpu.memory_space<semaphore_mem>>) {add = true}
          %dma_wait3A_197 = arith.constant 0 : i32
          %dma_wait3A_198 = tpu.memref_slice %arg7[%add3A_135, %dma_wait3A_197] : memref<768x32xi32, #tpu.memory_space<vmem>> -> memref<1x32xi32, #tpu.memory_space<vmem>>
          %dma_wait3A_199 = tpu.memref_squeeze %dma_wait3A_198 : memref<1x32xi32, #tpu.memory_space<vmem>> -> memref<32xi32, #tpu.memory_space<vmem>>
          %dma_wait3A_200 = arith.constant 0 : i32
          %dma_wait3A_201 = arith.constant 0 : i32
          %dma_wait3A_202 = tpu.memref_slice %arg15[%dma_wait3A_200, %dma_wait3A_201] : memref<6528x128xf32, #tpu.memory_space<vmem_shared>> -> memref<6528x128xf32, #tpu.memory_space<vmem_shared>>
          tpu.wait_indirect_dma semaphore(%run_scoped3A : memref<!tpu.dma_semaphore, #tpu.memory_space<semaphore_mem>>) src(%arg11 : memref<32x128xf32, #tpu.memory_space<vmem>>) dst(%dma_wait3A_202 : memref<6528x128xf32, #tpu.memory_space<vmem_shared>>)
          tpu.yield
        }) : () -> ()
        %add3A_136 = arith.constant 4 : i32
        %add3A_137 = arith.addi %add3A_123, %add3A_136 : i32
        %sub3A_138 = arith.constant 1 : i32
        %sub3A_139 = arith.subi %add3A_137, %sub3A_138 : i32
        %lt3A_140 = arith.cmpi slt, %sub3A_139, %mul3A_62 : i32
        %convert_element_type3A_141 = arith.extui %lt3A_140 : i1 to i32
        %cond3A_142 = arith.constant 0 : i32
        %cond3A_143 = arith.cmpi ne, %convert_element_type3A_141, %cond3A_142 : i32
        scf.if %cond3A_143 {
          %add3A_192 = arith.constant 4 : i32
          %add3A_193 = arith.addi %add3A_123, %add3A_192 : i32
          %sub3A_194 = arith.constant 1 : i32
          %sub3A_195 = arith.subi %add3A_193, %sub3A_194 : i32
          %mul3A_196 = arith.constant 6144 : i32
          %mul3A_197 = arith.muli %scan3A_69, %mul3A_196 : i32
          %mul3A_198 = arith.constant 32 : i32
          %mul3A_199 = arith.muli %sub3A_195, %mul3A_198 : i32
          %add3A_200 = arith.addi %mul3A_197, %mul3A_199 : i32
          %dma_start3A = tpu.memref_slice %arg6[%add3A_200] : memref<24576xi32, #tpu.memory_space<vmem>> -> memref<32xi32, #tpu.memory_space<vmem>>
          %dma_start3A_201 = arith.constant 0 : i32
          %dma_start3A_202 = arith.constant 0 : i32
          %dma_start3A_203 = tpu.memref_slice %arg2[%dma_start3A_201, %dma_start3A_202] : memref<150000x128xf32, #tpu.memory_space<hbm>> -> memref<150000x128xf32, #tpu.memory_space<hbm>>
          tpu.enqueue_indirect_dma source(%dma_start3A_203 : memref<150000x128xf32, #tpu.memory_space<hbm>>) target(%arg10 : memref<32x128xf32, #tpu.memory_space<vmem>>) offsets(%dma_start3A : memref<32xi32, #tpu.memory_space<vmem>>) semaphore(%arg16 : memref<!tpu.dma_semaphore, #tpu.memory_space<semaphore_mem>>)
        } else {
        }
        %mul3A_144 = arith.constant 4 : i32
        %mul3A_145 = arith.muli %mul3A_144, %while3A_97 : i32
        %add3A_146 = arith.constant 2 : i32
        %add3A_147 = arith.addi %mul3A_145, %add3A_146 : i32
        %mul3A_148 = arith.constant 6144 : i32
        %mul3A_149 = arith.muli %scan3A_69, %mul3A_148 : i32
        %mul3A_150 = arith.constant 32 : i32
        %mul3A_151 = arith.muli %add3A_147, %mul3A_150 : i32
        %add3A_152 = arith.addi %mul3A_149, %mul3A_151 : i32
        %dma_wait3A_153 = tpu.memref_slice %arg6[%add3A_152] : memref<24576xi32, #tpu.memory_space<vmem>> -> memref<32xi32, #tpu.memory_space<vmem>>
        %dma_wait3A_154 = arith.constant 0 : i32
        %dma_wait3A_155 = arith.constant 0 : i32
        %dma_wait3A_156 = tpu.memref_slice %arg2[%dma_wait3A_154, %dma_wait3A_155] : memref<150000x128xf32, #tpu.memory_space<hbm>> -> memref<150000x128xf32, #tpu.memory_space<hbm>>
        tpu.wait_indirect_dma semaphore(%arg18 : memref<!tpu.dma_semaphore, #tpu.memory_space<semaphore_mem>>) src(%dma_wait3A_156 : memref<150000x128xf32, #tpu.memory_space<hbm>>) dst(%arg12 : memref<32x128xf32, #tpu.memory_space<vmem>>)
        %mul3A_157 = arith.constant 192 : i32
        %mul3A_158 = arith.muli %scan3A_69, %mul3A_157 : i32
        %add3A_159 = arith.addi %mul3A_158, %add3A_147 : i32
        "tpu.region"() ({
          %run_scoped3A = tpu.sem_alloc : memref<!tpu.dma_semaphore, #tpu.memory_space<semaphore_mem>>
          %dma_start3A = arith.constant 0 : i32
          %dma_start3A_192 = tpu.memref_slice %arg7[%add3A_159, %dma_start3A] : memref<768x32xi32, #tpu.memory_space<vmem>> -> memref<1x32xi32, #tpu.memory_space<vmem>>
          %dma_start3A_193 = tpu.memref_squeeze %dma_start3A_192 : memref<1x32xi32, #tpu.memory_space<vmem>> -> memref<32xi32, #tpu.memory_space<vmem>>
          %dma_start3A_194 = arith.constant 0 : i32
          %dma_start3A_195 = arith.constant 0 : i32
          %dma_start3A_196 = tpu.memref_slice %arg15[%dma_start3A_194, %dma_start3A_195] : memref<6528x128xf32, #tpu.memory_space<vmem_shared>> -> memref<6528x128xf32, #tpu.memory_space<vmem_shared>>
          tpu.enqueue_indirect_dma source(%arg12 : memref<32x128xf32, #tpu.memory_space<vmem>>) target(%dma_start3A_196 : memref<6528x128xf32, #tpu.memory_space<vmem_shared>>) offsets(%dma_start3A_193 : memref<32xi32, #tpu.memory_space<vmem>>) semaphore(%run_scoped3A : memref<!tpu.dma_semaphore, #tpu.memory_space<semaphore_mem>>) {add = true}
          %dma_wait3A_197 = arith.constant 0 : i32
          %dma_wait3A_198 = tpu.memref_slice %arg7[%add3A_159, %dma_wait3A_197] : memref<768x32xi32, #tpu.memory_space<vmem>> -> memref<1x32xi32, #tpu.memory_space<vmem>>
          %dma_wait3A_199 = tpu.memref_squeeze %dma_wait3A_198 : memref<1x32xi32, #tpu.memory_space<vmem>> -> memref<32xi32, #tpu.memory_space<vmem>>
          %dma_wait3A_200 = arith.constant 0 : i32
          %dma_wait3A_201 = arith.constant 0 : i32
          %dma_wait3A_202 = tpu.memref_slice %arg15[%dma_wait3A_200, %dma_wait3A_201] : memref<6528x128xf32, #tpu.memory_space<vmem_shared>> -> memref<6528x128xf32, #tpu.memory_space<vmem_shared>>
          tpu.wait_indirect_dma semaphore(%run_scoped3A : memref<!tpu.dma_semaphore, #tpu.memory_space<semaphore_mem>>) src(%arg12 : memref<32x128xf32, #tpu.memory_space<vmem>>) dst(%dma_wait3A_202 : memref<6528x128xf32, #tpu.memory_space<vmem_shared>>)
          tpu.yield
        }) : () -> ()
        %add3A_160 = arith.constant 4 : i32
        %add3A_161 = arith.addi %add3A_147, %add3A_160 : i32
        %sub3A_162 = arith.constant 1 : i32
        %sub3A_163 = arith.subi %add3A_161, %sub3A_162 : i32
        %lt3A_164 = arith.cmpi slt, %sub3A_163, %mul3A_62 : i32
        %convert_element_type3A_165 = arith.extui %lt3A_164 : i1 to i32
        %cond3A_166 = arith.constant 0 : i32
        %cond3A_167 = arith.cmpi ne, %convert_element_type3A_165, %cond3A_166 : i32
        scf.if %cond3A_167 {
          %add3A_192 = arith.constant 4 : i32
          %add3A_193 = arith.addi %add3A_147, %add3A_192 : i32
          %sub3A_194 = arith.constant 1 : i32
          %sub3A_195 = arith.subi %add3A_193, %sub3A_194 : i32
          %mul3A_196 = arith.constant 6144 : i32
          %mul3A_197 = arith.muli %scan3A_69, %mul3A_196 : i32
          %mul3A_198 = arith.constant 32 : i32
          %mul3A_199 = arith.muli %sub3A_195, %mul3A_198 : i32
          %add3A_200 = arith.addi %mul3A_197, %mul3A_199 : i32
          %dma_start3A = tpu.memref_slice %arg6[%add3A_200] : memref<24576xi32, #tpu.memory_space<vmem>> -> memref<32xi32, #tpu.memory_space<vmem>>
          %dma_start3A_201 = arith.constant 0 : i32
          %dma_start3A_202 = arith.constant 0 : i32
          %dma_start3A_203 = tpu.memref_slice %arg2[%dma_start3A_201, %dma_start3A_202] : memref<150000x128xf32, #tpu.memory_space<hbm>> -> memref<150000x128xf32, #tpu.memory_space<hbm>>
          tpu.enqueue_indirect_dma source(%dma_start3A_203 : memref<150000x128xf32, #tpu.memory_space<hbm>>) target(%arg11 : memref<32x128xf32, #tpu.memory_space<vmem>>) offsets(%dma_start3A : memref<32xi32, #tpu.memory_space<vmem>>) semaphore(%arg17 : memref<!tpu.dma_semaphore, #tpu.memory_space<semaphore_mem>>)
        } else {
        }
        %mul3A_168 = arith.constant 4 : i32
        %mul3A_169 = arith.muli %mul3A_168, %while3A_97 : i32
        %add3A_170 = arith.constant 3 : i32
        %add3A_171 = arith.addi %mul3A_169, %add3A_170 : i32
        %mul3A_172 = arith.constant 6144 : i32
        %mul3A_173 = arith.muli %scan3A_69, %mul3A_172 : i32
        %mul3A_174 = arith.constant 32 : i32
        %mul3A_175 = arith.muli %add3A_171, %mul3A_174 : i32
        %add3A_176 = arith.addi %mul3A_173, %mul3A_175 : i32
        %dma_wait3A_177 = tpu.memref_slice %arg6[%add3A_176] : memref<24576xi32, #tpu.memory_space<vmem>> -> memref<32xi32, #tpu.memory_space<vmem>>
        %dma_wait3A_178 = arith.constant 0 : i32
        %dma_wait3A_179 = arith.constant 0 : i32
        %dma_wait3A_180 = tpu.memref_slice %arg2[%dma_wait3A_178, %dma_wait3A_179] : memref<150000x128xf32, #tpu.memory_space<hbm>> -> memref<150000x128xf32, #tpu.memory_space<hbm>>
        tpu.wait_indirect_dma semaphore(%arg19 : memref<!tpu.dma_semaphore, #tpu.memory_space<semaphore_mem>>) src(%dma_wait3A_180 : memref<150000x128xf32, #tpu.memory_space<hbm>>) dst(%arg13 : memref<32x128xf32, #tpu.memory_space<vmem>>)
        %mul3A_181 = arith.constant 192 : i32
        %mul3A_182 = arith.muli %scan3A_69, %mul3A_181 : i32
        %add3A_183 = arith.addi %mul3A_182, %add3A_171 : i32
        "tpu.region"() ({
          %run_scoped3A = tpu.sem_alloc : memref<!tpu.dma_semaphore, #tpu.memory_space<semaphore_mem>>
          %dma_start3A = arith.constant 0 : i32
          %dma_start3A_192 = tpu.memref_slice %arg7[%add3A_183, %dma_start3A] : memref<768x32xi32, #tpu.memory_space<vmem>> -> memref<1x32xi32, #tpu.memory_space<vmem>>
          %dma_start3A_193 = tpu.memref_squeeze %dma_start3A_192 : memref<1x32xi32, #tpu.memory_space<vmem>> -> memref<32xi32, #tpu.memory_space<vmem>>
          %dma_start3A_194 = arith.constant 0 : i32
          %dma_start3A_195 = arith.constant 0 : i32
          %dma_start3A_196 = tpu.memref_slice %arg15[%dma_start3A_194, %dma_start3A_195] : memref<6528x128xf32, #tpu.memory_space<vmem_shared>> -> memref<6528x128xf32, #tpu.memory_space<vmem_shared>>
          tpu.enqueue_indirect_dma source(%arg13 : memref<32x128xf32, #tpu.memory_space<vmem>>) target(%dma_start3A_196 : memref<6528x128xf32, #tpu.memory_space<vmem_shared>>) offsets(%dma_start3A_193 : memref<32xi32, #tpu.memory_space<vmem>>) semaphore(%run_scoped3A : memref<!tpu.dma_semaphore, #tpu.memory_space<semaphore_mem>>) {add = true}
          %dma_wait3A_197 = arith.constant 0 : i32
          %dma_wait3A_198 = tpu.memref_slice %arg7[%add3A_183, %dma_wait3A_197] : memref<768x32xi32, #tpu.memory_space<vmem>> -> memref<1x32xi32, #tpu.memory_space<vmem>>
          %dma_wait3A_199 = tpu.memref_squeeze %dma_wait3A_198 : memref<1x32xi32, #tpu.memory_space<vmem>> -> memref<32xi32, #tpu.memory_space<vmem>>
          %dma_wait3A_200 = arith.constant 0 : i32
          %dma_wait3A_201 = arith.constant 0 : i32
          %dma_wait3A_202 = tpu.memref_slice %arg15[%dma_wait3A_200, %dma_wait3A_201] : memref<6528x128xf32, #tpu.memory_space<vmem_shared>> -> memref<6528x128xf32, #tpu.memory_space<vmem_shared>>
          tpu.wait_indirect_dma semaphore(%run_scoped3A : memref<!tpu.dma_semaphore, #tpu.memory_space<semaphore_mem>>) src(%arg13 : memref<32x128xf32, #tpu.memory_space<vmem>>) dst(%dma_wait3A_202 : memref<6528x128xf32, #tpu.memory_space<vmem_shared>>)
          tpu.yield
        }) : () -> ()
        %add3A_184 = arith.constant 4 : i32
        %add3A_185 = arith.addi %add3A_171, %add3A_184 : i32
        %sub3A_186 = arith.constant 1 : i32
        %sub3A_187 = arith.subi %add3A_185, %sub3A_186 : i32
        %lt3A_188 = arith.cmpi slt, %sub3A_187, %mul3A_62 : i32
        %convert_element_type3A_189 = arith.extui %lt3A_188 : i1 to i32
        %cond3A_190 = arith.constant 0 : i32
        %cond3A_191 = arith.cmpi ne, %convert_element_type3A_189, %cond3A_190 : i32
        scf.if %cond3A_191 {
          %add3A_192 = arith.constant 4 : i32
          %add3A_193 = arith.addi %add3A_171, %add3A_192 : i32
          %sub3A_194 = arith.constant 1 : i32
          %sub3A_195 = arith.subi %add3A_193, %sub3A_194 : i32
          %mul3A_196 = arith.constant 6144 : i32
          %mul3A_197 = arith.muli %scan3A_69, %mul3A_196 : i32
          %mul3A_198 = arith.constant 32 : i32
          %mul3A_199 = arith.muli %sub3A_195, %mul3A_198 : i32
          %add3A_200 = arith.addi %mul3A_197, %mul3A_199 : i32
          %dma_start3A = tpu.memref_slice %arg6[%add3A_200] : memref<24576xi32, #tpu.memory_space<vmem>> -> memref<32xi32, #tpu.memory_space<vmem>>
          %dma_start3A_201 = arith.constant 0 : i32
          %dma_start3A_202 = arith.constant 0 : i32
          %dma_start3A_203 = tpu.memref_slice %arg2[%dma_start3A_201, %dma_start3A_202] : memref<150000x128xf32, #tpu.memory_space<hbm>> -> memref<150000x128xf32, #tpu.memory_space<hbm>>
          tpu.enqueue_indirect_dma source(%dma_start3A_203 : memref<150000x128xf32, #tpu.memory_space<hbm>>) target(%arg12 : memref<32x128xf32, #tpu.memory_space<vmem>>) offsets(%dma_start3A : memref<32xi32, #tpu.memory_space<vmem>>) semaphore(%arg18 : memref<!tpu.dma_semaphore, #tpu.memory_space<semaphore_mem>>)
        } else {
        }
      }
      %while3A_86 = arith.constant 1 : i32
      scf.for %while3A_97 = %while3A_84 to %while3A_80 step %while3A_86  : i32 {
        %mul3A_98 = arith.constant 4 : i32
        %mul3A_99 = arith.muli %mul3A_98, %while3A_97 : i32
        %add3A_100 = arith.constant 0 : i32
        %add3A_101 = arith.addi %mul3A_99, %add3A_100 : i32
        %mul3A_102 = arith.constant 6144 : i32
        %mul3A_103 = arith.muli %scan3A_69, %mul3A_102 : i32
        %mul3A_104 = arith.constant 32 : i32
        %mul3A_105 = arith.muli %add3A_101, %mul3A_104 : i32
        %add3A_106 = arith.addi %mul3A_103, %mul3A_105 : i32
        %dma_wait3A = tpu.memref_slice %arg6[%add3A_106] : memref<24576xi32, #tpu.memory_space<vmem>> -> memref<32xi32, #tpu.memory_space<vmem>>
        %dma_wait3A_107 = arith.constant 0 : i32
        %dma_wait3A_108 = arith.constant 0 : i32
        %dma_wait3A_109 = tpu.memref_slice %arg2[%dma_wait3A_107, %dma_wait3A_108] : memref<150000x128xf32, #tpu.memory_space<hbm>> -> memref<150000x128xf32, #tpu.memory_space<hbm>>
        tpu.wait_indirect_dma semaphore(%arg16 : memref<!tpu.dma_semaphore, #tpu.memory_space<semaphore_mem>>) src(%dma_wait3A_109 : memref<150000x128xf32, #tpu.memory_space<hbm>>) dst(%arg10 : memref<32x128xf32, #tpu.memory_space<vmem>>)
        %mul3A_110 = arith.constant 192 : i32
        %mul3A_111 = arith.muli %scan3A_69, %mul3A_110 : i32
        %add3A_112 = arith.addi %mul3A_111, %add3A_101 : i32
        "tpu.region"() ({
          %run_scoped3A = tpu.sem_alloc : memref<!tpu.dma_semaphore, #tpu.memory_space<semaphore_mem>>
          %dma_start3A = arith.constant 0 : i32
          %dma_start3A_192 = tpu.memref_slice %arg7[%add3A_112, %dma_start3A] : memref<768x32xi32, #tpu.memory_space<vmem>> -> memref<1x32xi32, #tpu.memory_space<vmem>>
          %dma_start3A_193 = tpu.memref_squeeze %dma_start3A_192 : memref<1x32xi32, #tpu.memory_space<vmem>> -> memref<32xi32, #tpu.memory_space<vmem>>
          %dma_start3A_194 = arith.constant 0 : i32
          %dma_start3A_195 = arith.constant 0 : i32
          %dma_start3A_196 = tpu.memref_slice %arg15[%dma_start3A_194, %dma_start3A_195] : memref<6528x128xf32, #tpu.memory_space<vmem_shared>> -> memref<6528x128xf32, #tpu.memory_space<vmem_shared>>
          tpu.enqueue_indirect_dma source(%arg10 : memref<32x128xf32, #tpu.memory_space<vmem>>) target(%dma_start3A_196 : memref<6528x128xf32, #tpu.memory_space<vmem_shared>>) offsets(%dma_start3A_193 : memref<32xi32, #tpu.memory_space<vmem>>) semaphore(%run_scoped3A : memref<!tpu.dma_semaphore, #tpu.memory_space<semaphore_mem>>) {add = true}
          %dma_wait3A_197 = arith.constant 0 : i32
          %dma_wait3A_198 = tpu.memref_slice %arg7[%add3A_112, %dma_wait3A_197] : memref<768x32xi32, #tpu.memory_space<vmem>> -> memref<1x32xi32, #tpu.memory_space<vmem>>
          %dma_wait3A_199 = tpu.memref_squeeze %dma_wait3A_198 : memref<1x32xi32, #tpu.memory_space<vmem>> -> memref<32xi32, #tpu.memory_space<vmem>>
          %dma_wait3A_200 = arith.constant 0 : i32
          %dma_wait3A_201 = arith.constant 0 : i32
          %dma_wait3A_202 = tpu.memref_slice %arg15[%dma_wait3A_200, %dma_wait3A_201] : memref<6528x128xf32, #tpu.memory_space<vmem_shared>> -> memref<6528x128xf32, #tpu.memory_space<vmem_shared>>
          tpu.wait_indirect_dma semaphore(%run_scoped3A : memref<!tpu.dma_semaphore, #tpu.memory_space<semaphore_mem>>) src(%arg10 : memref<32x128xf32, #tpu.memory_space<vmem>>) dst(%dma_wait3A_202 : memref<6528x128xf32, #tpu.memory_space<vmem_shared>>)
          tpu.yield
        }) : () -> ()
        %add3A_113 = arith.constant 4 : i32
        %add3A_114 = arith.addi %add3A_101, %add3A_113 : i32
        %sub3A_115 = arith.constant 1 : i32
        %sub3A_116 = arith.subi %add3A_114, %sub3A_115 : i32
        %lt3A = arith.cmpi slt, %sub3A_116, %mul3A_62 : i32
        %convert_element_type3A_117 = arith.extui %lt3A : i1 to i32
        %cond3A_118 = arith.constant 0 : i32
        %cond3A_119 = arith.cmpi ne, %convert_element_type3A_117, %cond3A_118 : i32
        scf.if %cond3A_119 {
          %add3A_192 = arith.constant 4 : i32
          %add3A_193 = arith.addi %add3A_101, %add3A_192 : i32
          %sub3A_194 = arith.constant 1 : i32
          %sub3A_195 = arith.subi %add3A_193, %sub3A_194 : i32
          %mul3A_196 = arith.constant 6144 : i32
          %mul3A_197 = arith.muli %scan3A_69, %mul3A_196 : i32
          %mul3A_198 = arith.constant 32 : i32
          %mul3A_199 = arith.muli %sub3A_195, %mul3A_198 : i32
          %add3A_200 = arith.addi %mul3A_197, %mul3A_199 : i32
          %dma_start3A = tpu.memref_slice %arg6[%add3A_200] : memref<24576xi32, #tpu.memory_space<vmem>> -> memref<32xi32, #tpu.memory_space<vmem>>
          %dma_start3A_201 = arith.constant 0 : i32
          %dma_start3A_202 = arith.constant 0 : i32
          %dma_start3A_203 = tpu.memref_slice %arg2[%dma_start3A_201, %dma_start3A_202] : memref<150000x128xf32, #tpu.memory_space<hbm>> -> memref<150000x128xf32, #tpu.memory_space<hbm>>
          tpu.enqueue_indirect_dma source(%dma_start3A_203 : memref<150000x128xf32, #tpu.memory_space<hbm>>) target(%arg13 : memref<32x128xf32, #tpu.memory_space<vmem>>) offsets(%dma_start3A : memref<32xi32, #tpu.memory_space<vmem>>) semaphore(%arg19 : memref<!tpu.dma_semaphore, #tpu.memory_space<semaphore_mem>>)
        } else {
        }
        %mul3A_120 = arith.constant 4 : i32
        %mul3A_121 = arith.muli %mul3A_120, %while3A_97 : i32
        %add3A_122 = arith.constant 1 : i32
        %add3A_123 = arith.addi %mul3A_121, %add3A_122 : i32
        %mul3A_124 = arith.constant 6144 : i32
        %mul3A_125 = arith.muli %scan3A_69, %mul3A_124 : i32
        %mul3A_126 = arith.constant 32 : i32
        %mul3A_127 = arith.muli %add3A_123, %mul3A_126 : i32
        %add3A_128 = arith.addi %mul3A_125, %mul3A_127 : i32
        %dma_wait3A_129 = tpu.memref_slice %arg6[%add3A_128] : memref<24576xi32, #tpu.memory_space<vmem>> -> memref<32xi32, #tpu.memory_space<vmem>>
        %dma_wait3A_130 = arith.constant 0 : i32
        %dma_wait3A_131 = arith.constant 0 : i32
        %dma_wait3A_132 = tpu.memref_slice %arg2[%dma_wait3A_130, %dma_wait3A_131] : memref<150000x128xf32, #tpu.memory_space<hbm>> -> memref<150000x128xf32, #tpu.memory_space<hbm>>
        tpu.wait_indirect_dma semaphore(%arg17 : memref<!tpu.dma_semaphore, #tpu.memory_space<semaphore_mem>>) src(%dma_wait3A_132 : memref<150000x128xf32, #tpu.memory_space<hbm>>) dst(%arg11 : memref<32x128xf32, #tpu.memory_space<vmem>>)
        %mul3A_133 = arith.constant 192 : i32
        %mul3A_134 = arith.muli %scan3A_69, %mul3A_133 : i32
        %add3A_135 = arith.addi %mul3A_134, %add3A_123 : i32
        "tpu.region"() ({
          %run_scoped3A = tpu.sem_alloc : memref<!tpu.dma_semaphore, #tpu.memory_space<semaphore_mem>>
          %dma_start3A = arith.constant 0 : i32
          %dma_start3A_192 = tpu.memref_slice %arg7[%add3A_135, %dma_start3A] : memref<768x32xi32, #tpu.memory_space<vmem>> -> memref<1x32xi32, #tpu.memory_space<vmem>>
          %dma_start3A_193 = tpu.memref_squeeze %dma_start3A_192 : memref<1x32xi32, #tpu.memory_space<vmem>> -> memref<32xi32, #tpu.memory_space<vmem>>
          %dma_start3A_194 = arith.constant 0 : i32
          %dma_start3A_195 = arith.constant 0 : i32
          %dma_start3A_196 = tpu.memref_slice %arg15[%dma_start3A_194, %dma_start3A_195] : memref<6528x128xf32, #tpu.memory_space<vmem_shared>> -> memref<6528x128xf32, #tpu.memory_space<vmem_shared>>
          tpu.enqueue_indirect_dma source(%arg11 : memref<32x128xf32, #tpu.memory_space<vmem>>) target(%dma_start3A_196 : memref<6528x128xf32, #tpu.memory_space<vmem_shared>>) offsets(%dma_start3A_193 : memref<32xi32, #tpu.memory_space<vmem>>) semaphore(%run_scoped3A : memref<!tpu.dma_semaphore, #tpu.memory_space<semaphore_mem>>) {add = true}
          %dma_wait3A_197 = arith.constant 0 : i32
          %dma_wait3A_198 = tpu.memref_slice %arg7[%add3A_135, %dma_wait3A_197] : memref<768x32xi32, #tpu.memory_space<vmem>> -> memref<1x32xi32, #tpu.memory_space<vmem>>
          %dma_wait3A_199 = tpu.memref_squeeze %dma_wait3A_198 : memref<1x32xi32, #tpu.memory_space<vmem>> -> memref<32xi32, #tpu.memory_space<vmem>>
          %dma_wait3A_200 = arith.constant 0 : i32
          %dma_wait3A_201 = arith.constant 0 : i32
          %dma_wait3A_202 = tpu.memref_slice %arg15[%dma_wait3A_200, %dma_wait3A_201] : memref<6528x128xf32, #tpu.memory_space<vmem_shared>> -> memref<6528x128xf32, #tpu.memory_space<vmem_shared>>
          tpu.wait_indirect_dma semaphore(%run_scoped3A : memref<!tpu.dma_semaphore, #tpu.memory_space<semaphore_mem>>) src(%arg11 : memref<32x128xf32, #tpu.memory_space<vmem>>) dst(%dma_wait3A_202 : memref<6528x128xf32, #tpu.memory_space<vmem_shared>>)
          tpu.yield
        }) : () -> ()
        %add3A_136 = arith.constant 4 : i32
        %add3A_137 = arith.addi %add3A_123, %add3A_136 : i32
        %sub3A_138 = arith.constant 1 : i32
        %sub3A_139 = arith.subi %add3A_137, %sub3A_138 : i32
        %lt3A_140 = arith.cmpi slt, %sub3A_139, %mul3A_62 : i32
        %convert_element_type3A_141 = arith.extui %lt3A_140 : i1 to i32
        %cond3A_142 = arith.constant 0 : i32
        %cond3A_143 = arith.cmpi ne, %convert_element_type3A_141, %cond3A_142 : i32
        scf.if %cond3A_143 {
          %add3A_192 = arith.constant 4 : i32
          %add3A_193 = arith.addi %add3A_123, %add3A_192 : i32
          %sub3A_194 = arith.constant 1 : i32
          %sub3A_195 = arith.subi %add3A_193, %sub3A_194 : i32
          %mul3A_196 = arith.constant 6144 : i32
          %mul3A_197 = arith.muli %scan3A_69, %mul3A_196 : i32
          %mul3A_198 = arith.constant 32 : i32
          %mul3A_199 = arith.muli %sub3A_195, %mul3A_198 : i32
          %add3A_200 = arith.addi %mul3A_197, %mul3A_199 : i32
          %dma_start3A = tpu.memref_slice %arg6[%add3A_200] : memref<24576xi32, #tpu.memory_space<vmem>> -> memref<32xi32, #tpu.memory_space<vmem>>
          %dma_start3A_201 = arith.constant 0 : i32
          %dma_start3A_202 = arith.constant 0 : i32
          %dma_start3A_203 = tpu.memref_slice %arg2[%dma_start3A_201, %dma_start3A_202] : memref<150000x128xf32, #tpu.memory_space<hbm>> -> memref<150000x128xf32, #tpu.memory_space<hbm>>
          tpu.enqueue_indirect_dma source(%dma_start3A_203 : memref<150000x128xf32, #tpu.memory_space<hbm>>) target(%arg10 : memref<32x128xf32, #tpu.memory_space<vmem>>) offsets(%dma_start3A : memref<32xi32, #tpu.memory_space<vmem>>) semaphore(%arg16 : memref<!tpu.dma_semaphore, #tpu.memory_space<semaphore_mem>>)
        } else {
        }
        %mul3A_144 = arith.constant 4 : i32
        %mul3A_145 = arith.muli %mul3A_144, %while3A_97 : i32
        %add3A_146 = arith.constant 2 : i32
        %add3A_147 = arith.addi %mul3A_145, %add3A_146 : i32
        %mul3A_148 = arith.constant 6144 : i32
        %mul3A_149 = arith.muli %scan3A_69, %mul3A_148 : i32
        %mul3A_150 = arith.constant 32 : i32
        %mul3A_151 = arith.muli %add3A_147, %mul3A_150 : i32
        %add3A_152 = arith.addi %mul3A_149, %mul3A_151 : i32
        %dma_wait3A_153 = tpu.memref_slice %arg6[%add3A_152] : memref<24576xi32, #tpu.memory_space<vmem>> -> memref<32xi32, #tpu.memory_space<vmem>>
        %dma_wait3A_154 = arith.constant 0 : i32
        %dma_wait3A_155 = arith.constant 0 : i32
        %dma_wait3A_156 = tpu.memref_slice %arg2[%dma_wait3A_154, %dma_wait3A_155] : memref<150000x128xf32, #tpu.memory_space<hbm>> -> memref<150000x128xf32, #tpu.memory_space<hbm>>
        tpu.wait_indirect_dma semaphore(%arg18 : memref<!tpu.dma_semaphore, #tpu.memory_space<semaphore_mem>>) src(%dma_wait3A_156 : memref<150000x128xf32, #tpu.memory_space<hbm>>) dst(%arg12 : memref<32x128xf32, #tpu.memory_space<vmem>>)
        %mul3A_157 = arith.constant 192 : i32
        %mul3A_158 = arith.muli %scan3A_69, %mul3A_157 : i32
        %add3A_159 = arith.addi %mul3A_158, %add3A_147 : i32
        "tpu.region"() ({
          %run_scoped3A = tpu.sem_alloc : memref<!tpu.dma_semaphore, #tpu.memory_space<semaphore_mem>>
          %dma_start3A = arith.constant 0 : i32
          %dma_start3A_192 = tpu.memref_slice %arg7[%add3A_159, %dma_start3A] : memref<768x32xi32, #tpu.memory_space<vmem>> -> memref<1x32xi32, #tpu.memory_space<vmem>>
          %dma_start3A_193 = tpu.memref_squeeze %dma_start3A_192 : memref<1x32xi32, #tpu.memory_space<vmem>> -> memref<32xi32, #tpu.memory_space<vmem>>
          %dma_start3A_194 = arith.constant 0 : i32
          %dma_start3A_195 = arith.constant 0 : i32
          %dma_start3A_196 = tpu.memref_slice %arg15[%dma_start3A_194, %dma_start3A_195] : memref<6528x128xf32, #tpu.memory_space<vmem_shared>> -> memref<6528x128xf32, #tpu.memory_space<vmem_shared>>
          tpu.enqueue_indirect_dma source(%arg12 : memref<32x128xf32, #tpu.memory_space<vmem>>) target(%dma_start3A_196 : memref<6528x128xf32, #tpu.memory_space<vmem_shared>>) offsets(%dma_start3A_193 : memref<32xi32, #tpu.memory_space<vmem>>) semaphore(%run_scoped3A : memref<!tpu.dma_semaphore, #tpu.memory_space<semaphore_mem>>) {add = true}
          %dma_wait3A_197 = arith.constant 0 : i32
          %dma_wait3A_198 = tpu.memref_slice %arg7[%add3A_159, %dma_wait3A_197] : memref<768x32xi32, #tpu.memory_space<vmem>> -> memref<1x32xi32, #tpu.memory_space<vmem>>
          %dma_wait3A_199 = tpu.memref_squeeze %dma_wait3A_198 : memref<1x32xi32, #tpu.memory_space<vmem>> -> memref<32xi32, #tpu.memory_space<vmem>>
          %dma_wait3A_200 = arith.constant 0 : i32
          %dma_wait3A_201 = arith.constant 0 : i32
          %dma_wait3A_202 = tpu.memref_slice %arg15[%dma_wait3A_200, %dma_wait3A_201] : memref<6528x128xf32, #tpu.memory_space<vmem_shared>> -> memref<6528x128xf32, #tpu.memory_space<vmem_shared>>
          tpu.wait_indirect_dma semaphore(%run_scoped3A : memref<!tpu.dma_semaphore, #tpu.memory_space<semaphore_mem>>) src(%arg12 : memref<32x128xf32, #tpu.memory_space<vmem>>) dst(%dma_wait3A_202 : memref<6528x128xf32, #tpu.memory_space<vmem_shared>>)
          tpu.yield
        }) : () -> ()
        %add3A_160 = arith.constant 4 : i32
        %add3A_161 = arith.addi %add3A_147, %add3A_160 : i32
        %sub3A_162 = arith.constant 1 : i32
        %sub3A_163 = arith.subi %add3A_161, %sub3A_162 : i32
        %lt3A_164 = arith.cmpi slt, %sub3A_163, %mul3A_62 : i32
        %convert_element_type3A_165 = arith.extui %lt3A_164 : i1 to i32
        %cond3A_166 = arith.constant 0 : i32
        %cond3A_167 = arith.cmpi ne, %convert_element_type3A_165, %cond3A_166 : i32
        scf.if %cond3A_167 {
          %add3A_192 = arith.constant 4 : i32
          %add3A_193 = arith.addi %add3A_147, %add3A_192 : i32
          %sub3A_194 = arith.constant 1 : i32
          %sub3A_195 = arith.subi %add3A_193, %sub3A_194 : i32
          %mul3A_196 = arith.constant 6144 : i32
          %mul3A_197 = arith.muli %scan3A_69, %mul3A_196 : i32
          %mul3A_198 = arith.constant 32 : i32
          %mul3A_199 = arith.muli %sub3A_195, %mul3A_198 : i32
          %add3A_200 = arith.addi %mul3A_197, %mul3A_199 : i32
          %dma_start3A = tpu.memref_slice %arg6[%add3A_200] : memref<24576xi32, #tpu.memory_space<vmem>> -> memref<32xi32, #tpu.memory_space<vmem>>
          %dma_start3A_201 = arith.constant 0 : i32
          %dma_start3A_202 = arith.constant 0 : i32
          %dma_start3A_203 = tpu.memref_slice %arg2[%dma_start3A_201, %dma_start3A_202] : memref<150000x128xf32, #tpu.memory_space<hbm>> -> memref<150000x128xf32, #tpu.memory_space<hbm>>
          tpu.enqueue_indirect_dma source(%dma_start3A_203 : memref<150000x128xf32, #tpu.memory_space<hbm>>) target(%arg11 : memref<32x128xf32, #tpu.memory_space<vmem>>) offsets(%dma_start3A : memref<32xi32, #tpu.memory_space<vmem>>) semaphore(%arg17 : memref<!tpu.dma_semaphore, #tpu.memory_space<semaphore_mem>>)
        } else {
        }
        %mul3A_168 = arith.constant 4 : i32
        %mul3A_169 = arith.muli %mul3A_168, %while3A_97 : i32
        %add3A_170 = arith.constant 3 : i32
        %add3A_171 = arith.addi %mul3A_169, %add3A_170 : i32
        %mul3A_172 = arith.constant 6144 : i32
        %mul3A_173 = arith.muli %scan3A_69, %mul3A_172 : i32
        %mul3A_174 = arith.constant 32 : i32
        %mul3A_175 = arith.muli %add3A_171, %mul3A_174 : i32
        %add3A_176 = arith.addi %mul3A_173, %mul3A_175 : i32
        %dma_wait3A_177 = tpu.memref_slice %arg6[%add3A_176] : memref<24576xi32, #tpu.memory_space<vmem>> -> memref<32xi32, #tpu.memory_space<vmem>>
        %dma_wait3A_178 = arith.constant 0 : i32
        %dma_wait3A_179 = arith.constant 0 : i32
        %dma_wait3A_180 = tpu.memref_slice %arg2[%dma_wait3A_178, %dma_wait3A_179] : memref<150000x128xf32, #tpu.memory_space<hbm>> -> memref<150000x128xf32, #tpu.memory_space<hbm>>
        tpu.wait_indirect_dma semaphore(%arg19 : memref<!tpu.dma_semaphore, #tpu.memory_space<semaphore_mem>>) src(%dma_wait3A_180 : memref<150000x128xf32, #tpu.memory_space<hbm>>) dst(%arg13 : memref<32x128xf32, #tpu.memory_space<vmem>>)
        %mul3A_181 = arith.constant 192 : i32
        %mul3A_182 = arith.muli %scan3A_69, %mul3A_181 : i32
        %add3A_183 = arith.addi %mul3A_182, %add3A_171 : i32
        "tpu.region"() ({
          %run_scoped3A = tpu.sem_alloc : memref<!tpu.dma_semaphore, #tpu.memory_space<semaphore_mem>>
          %dma_start3A = arith.constant 0 : i32
          %dma_start3A_192 = tpu.memref_slice %arg7[%add3A_183, %dma_start3A] : memref<768x32xi32, #tpu.memory_space<vmem>> -> memref<1x32xi32, #tpu.memory_space<vmem>>
          %dma_start3A_193 = tpu.memref_squeeze %dma_start3A_192 : memref<1x32xi32, #tpu.memory_space<vmem>> -> memref<32xi32, #tpu.memory_space<vmem>>
          %dma_start3A_194 = arith.constant 0 : i32
          %dma_start3A_195 = arith.constant 0 : i32
          %dma_start3A_196 = tpu.memref_slice %arg15[%dma_start3A_194, %dma_start3A_195] : memref<6528x128xf32, #tpu.memory_space<vmem_shared>> -> memref<6528x128xf32, #tpu.memory_space<vmem_shared>>
          tpu.enqueue_indirect_dma source(%arg13 : memref<32x128xf32, #tpu.memory_space<vmem>>) target(%dma_start3A_196 : memref<6528x128xf32, #tpu.memory_space<vmem_shared>>) offsets(%dma_start3A_193 : memref<32xi32, #tpu.memory_space<vmem>>) semaphore(%run_scoped3A : memref<!tpu.dma_semaphore, #tpu.memory_space<semaphore_mem>>) {add = true}
          %dma_wait3A_197 = arith.constant 0 : i32
          %dma_wait3A_198 = tpu.memref_slice %arg7[%add3A_183, %dma_wait3A_197] : memref<768x32xi32, #tpu.memory_space<vmem>> -> memref<1x32xi32, #tpu.memory_space<vmem>>
          %dma_wait3A_199 = tpu.memref_squeeze %dma_wait3A_198 : memref<1x32xi32, #tpu.memory_space<vmem>> -> memref<32xi32, #tpu.memory_space<vmem>>
          %dma_wait3A_200 = arith.constant 0 : i32
          %dma_wait3A_201 = arith.constant 0 : i32
          %dma_wait3A_202 = tpu.memref_slice %arg15[%dma_wait3A_200, %dma_wait3A_201] : memref<6528x128xf32, #tpu.memory_space<vmem_shared>> -> memref<6528x128xf32, #tpu.memory_space<vmem_shared>>
          tpu.wait_indirect_dma semaphore(%run_scoped3A : memref<!tpu.dma_semaphore, #tpu.memory_space<semaphore_mem>>) src(%arg13 : memref<32x128xf32, #tpu.memory_space<vmem>>) dst(%dma_wait3A_202 : memref<6528x128xf32, #tpu.memory_space<vmem_shared>>)
          tpu.yield
        }) : () -> ()
        %add3A_184 = arith.constant 4 : i32
        %add3A_185 = arith.addi %add3A_171, %add3A_184 : i32
        %sub3A_186 = arith.constant 1 : i32
        %sub3A_187 = arith.subi %add3A_185, %sub3A_186 : i32
        %lt3A_188 = arith.cmpi slt, %sub3A_187, %mul3A_62 : i32
        %convert_element_type3A_189 = arith.extui %lt3A_188 : i1 to i32
        %cond3A_190 = arith.constant 0 : i32
        %cond3A_191 = arith.cmpi ne, %convert_element_type3A_189, %cond3A_190 : i32
        scf.if %cond3A_191 {
          %add3A_192 = arith.constant 4 : i32
          %add3A_193 = arith.addi %add3A_171, %add3A_192 : i32
          %sub3A_194 = arith.constant 1 : i32
          %sub3A_195 = arith.subi %add3A_193, %sub3A_194 : i32
          %mul3A_196 = arith.constant 6144 : i32
          %mul3A_197 = arith.muli %scan3A_69, %mul3A_196 : i32
          %mul3A_198 = arith.constant 32 : i32
          %mul3A_199 = arith.muli %sub3A_195, %mul3A_198 : i32
          %add3A_200 = arith.addi %mul3A_197, %mul3A_199 : i32
          %dma_start3A = tpu.memref_slice %arg6[%add3A_200] : memref<24576xi32, #tpu.memory_space<vmem>> -> memref<32xi32, #tpu.memory_space<vmem>>
          %dma_start3A_201 = arith.constant 0 : i32
          %dma_start3A_202 = arith.constant 0 : i32
          %dma_start3A_203 = tpu.memref_slice %arg2[%dma_start3A_201, %dma_start3A_202] : memref<150000x128xf32, #tpu.memory_space<hbm>> -> memref<150000x128xf32, #tpu.memory_space<hbm>>
          tpu.enqueue_indirect_dma source(%dma_start3A_203 : memref<150000x128xf32, #tpu.memory_space<hbm>>) target(%arg12 : memref<32x128xf32, #tpu.memory_space<vmem>>) offsets(%dma_start3A : memref<32xi32, #tpu.memory_space<vmem>>) semaphore(%arg18 : memref<!tpu.dma_semaphore, #tpu.memory_space<semaphore_mem>>)
        } else {
        }
      }
      %barrier3A_87 = arith.constant 0 : index
      tpu.barrier barrier_id(%barrier3A_87)
      %mul3A_88 = arith.constant 6400 : i32
      %mul3A_89 = arith.muli %scan3A_69, %mul3A_88 : i32
      %add3A_90 = arith.addi %mul3A_0, %mul3A_89 : i32
      %mul3A_91 = arith.constant 400 : i32
      %mul3A_92 = arith.muli %arg1, %mul3A_91 : i32
      %mul3A_93 = arith.constant 400 : i32
      %mul3A_94 = arith.muli %arg1, %mul3A_93 : i32
      %add3A_95 = arith.addi %add3A_90, %mul3A_94 : i32
      "tpu.region"() ({
        %run_scoped3A = tpu.sem_alloc : memref<!tpu.dma_semaphore, #tpu.memory_space<semaphore_mem>>
        %dma_start3A = arith.constant 0 : i32
        %dma_start3A_97 = tpu.memref_slice %arg5[%add3A_95, %dma_start3A] : memref<51200x128xf32, #tpu.memory_space<hbm>> -> memref<400x128xf32, #tpu.memory_space<hbm>>
        %dma_start3A_98 = arith.constant 0 : i32
        %dma_start3A_99 = tpu.memref_slice %arg15[%mul3A_92, %dma_start3A_98] : memref<6528x128xf32, #tpu.memory_space<vmem_shared>> -> memref<400x128xf32, #tpu.memory_space<vmem_shared>>
        tpu.enqueue_dma source(%dma_start3A_99 : memref<400x128xf32, #tpu.memory_space<vmem_shared>>) target(%dma_start3A_97 : memref<400x128xf32, #tpu.memory_space<hbm>>) target_semaphore(%run_scoped3A : memref<!tpu.dma_semaphore, #tpu.memory_space<semaphore_mem>>)
        %dma_wait3A = arith.constant 0 : i32
        %dma_wait3A_100 = tpu.memref_slice %arg5[%add3A_95, %dma_wait3A] : memref<51200x128xf32, #tpu.memory_space<hbm>> -> memref<400x128xf32, #tpu.memory_space<hbm>>
        %dma_wait3A_101 = arith.constant 0 : i32
        %dma_wait3A_102 = tpu.memref_slice %arg15[%mul3A_92, %dma_wait3A_101] : memref<6528x128xf32, #tpu.memory_space<vmem_shared>> -> memref<400x128xf32, #tpu.memory_space<vmem_shared>>
        tpu.wait_dma2 semaphore(%run_scoped3A : memref<!tpu.dma_semaphore, #tpu.memory_space<semaphore_mem>>) src(%dma_wait3A_102 : memref<400x128xf32, #tpu.memory_space<vmem_shared>>) dst(%dma_wait3A_100 : memref<400x128xf32, #tpu.memory_space<hbm>>)
        tpu.yield
      }) : () -> ()
      %barrier3A_96 = arith.constant 0 : index
      tpu.barrier barrier_id(%barrier3A_96)
    }
    %scan3A_68 = arith.constant 4 : i32
    return
  }
}

module attributes {stable_mosaic.version = 14 : i64} {
  func.func @_matmul_body(%arg0: i32, %arg1: i32, %arg2: memref<400x128xf32, #tpu.memory_space<vmem>>, %arg3: memref<1x128x128xf32, #tpu.memory_space<vmem>>, %arg4: memref<400x128xf32, #tpu.memory_space<vmem>>) attributes {dimension_semantics = [#tpu.dimension_semantics<arbitrary>, #tpu.dimension_semantics<arbitrary>], iteration_bounds = array<i64: 3, 125>, scalar_prefetch = 0 : i64, scratch_operands = 0 : i64, tpu.core_type = #tpu.core_type<tc>, window_params = [{transform_indices = @transform_0, window_bounds = array<i64: 400, 128>}, {transform_indices = @transform_1, window_bounds = array<i64: 1, 128, 128>}, {transform_indices = @transform_2, window_bounds = array<i64: 400, 128>}]} {
    %get3A = arith.constant 0 : index
    %get3A_0 = arith.constant 0 : index
    %get3A_1 = vector.load %arg2[%get3A, %get3A_0] : memref<400x128xf32, #tpu.memory_space<vmem>>, vector<400x128xf32>
    %get3A_2 = arith.constant 0 : index
    %get3A_3 = arith.constant 0 : index
    %get3A_4 = arith.constant 0 : index
    %get3A_5 = vector.load %arg3[%get3A_2, %get3A_3, %get3A_4] : memref<1x128x128xf32, #tpu.memory_space<vmem>>, vector<1x128x128xf32>
    %get3A_6 = vector.shape_cast %get3A_5 : vector<1x128x128xf32> to vector<128x128xf32>
    %dot_general3A = arith.constant dense<0.000000e+00> : vector<400x128xf32>
    %dot_general3A_7 = tpu.matmul %get3A_1, %get3A_6, %dot_general3A {dimension_numbers = #tpu.dot_dimension_numbers<[1], [0], [0], [1], [0, 0, 1, 1], [], []>, transpose_lhs_hint = false} : vector<400x128xf32>, vector<128x128xf32>, vector<400x128xf32> -> vector<400x128xf32>
    %swap3A = arith.constant 0 : index
    %swap3A_8 = arith.constant 0 : index
    %swap3A_9 = vector.load %arg4[%swap3A, %swap3A_8] : memref<400x128xf32, #tpu.memory_space<vmem>>, vector<400x128xf32>
    tpu.vector_store %arg4[%swap3A, %swap3A_8], %dot_general3A_7 {strides = array<i32>} : memref<400x128xf32, #tpu.memory_space<vmem>>, vector<400x128xf32>,
    return
  }
  func.func @transform_0(%arg0: i32, %arg1: i32) -> (i32, i32) {
    %c0_i32 = arith.constant 0 : i32
    %c0_i32_0 = arith.constant 0 : i32
    return %arg1, %c0_i32 : i32, i32
  }
  func.func @transform_1(%arg0: i32, %arg1: i32) -> (i32, i32, i32) {
    %c0_i32 = arith.constant 0 : i32
    %c0_i32_0 = arith.constant 0 : i32
    %c0_i32_1 = arith.constant 0 : i32
    return %arg0, %c0_i32, %c0_i32_0 : i32, i32, i32
  }
  func.func @transform_2(%arg0: i32, %arg1: i32) -> (i32, i32) {
    %mul3A = arith.constant 125 : i32
    %mul3A_0 = arith.muli %arg0, %mul3A : i32
    %add3A = arith.addi %mul3A_0, %arg1 : i32
    %c0_i32 = arith.constant 0 : i32
    %c0_i32_1 = arith.constant 0 : i32
    return %add3A, %c0_i32 : i32, i32
  }
}

</mosaic_0001>

<sc_bundles>
// kernel: kernel.4.cloned.1.call-start
scs
__scs_entry_jumppad:
0x0: {  	(pc) =	sbr.rel $0x88, $3  }
0x1: {  	(tag) =	ssettag $0x0;
	lr =	simm.s32 $0x1  }
0x2: {  	[smem:$0x3F9C] =	sst lr;
	_ =	strace $0xD0000000  }
0x3: {  	_ = 	snop  }
0x4: {  	_ = 	snop  }
0x5: {  	_ = 	snop  }
0x6: {  	_ = 	snop  }
0x7: {  	_ = 	snop  }
__scs_overlays_trampoline_lowered:
0x8: {  	[smem:$0x3FAB] =	sst s0  }
0x9: {  	[smem:$0x3FAC] =	sst s1  }
0xa: {  	[smem:$0x3FAD] =	sst s2  }
0xb: {  	[smem:$0x3FAE] =	sst s3  }
0xc: {  	[smem:$0x3FAF] =	sst s4  }
0xd: {  	[smem:$0x3FB0] =	sst s5  }
0xe: {  	[smem:$0x3FB1] =	sst s6  }
0xf: {  	[smem:$0x3FB2] =	sst s7  }
0x10: {  	[smem:$0x3FB3] =	sst s8  }
0x11: {  	[smem:$0x3FB4] =	sst s9;
	s0 =	simm.s32 @!p0 $0x0  }
0x12: {  	s1 =	sld [smem:$0x3F9A];
	s0 =	simm.s32 @p0 $0x1  }
0x13: {  	[smem:$0x3FB5] =	sst s0;
	s0 =	simm.s32 @!p1 $0x0  }
0x14: {  	s2 =	sld [smem:$0x3F99];
	s0 =	simm.s32 @p1 $0x1  }
0x15: {  	[smem:$0x3FB6] =	sst s0;
	s0 =	simm.s32 @!p2 $0x0  }
0x16: {  	s3 =	sld [smem:$0x3FDB];
	s0 =	simm.s32 @p2 $0x1  }
0x17: {  	s4 =	simm.s32 $0x1BF5;
	[smem:$0x3FB8] =	sst s0  }
0x18: {  	s0 =	sld [smem:$0x3F9B];
	_ =	swait.ge [sflag:s4], $0x0  }
0x19: {  	s7 =	sld [smem:$0x3F9C]  }
0x1a: {  	s8 =	sadd.s32 $0xFFFFE003, lr  }
0x1b: {  	s9 =	sadd.s32 $0xFFFFFEF7, lr;
	s5 =	simm.s32 $0xFFFFFFFF;
	p2 =	slt.u32 s8, $0xFFFFF086  }
0x1c: {  	p1 =	slt.u32 s9, $0xF7A;
	s5 =	simm.s32 @!p2 $0x0  }
0x1d: {  	s5 =	simm.s32 @p1 $0x1;
	p0 =	seq.s32 s7, s2  }
0x1e: {  	s7 =	smul.u32 @!p0 $0xF7A, s2;
	p2 =	seq.s32 @!p0 s5, $0x0  }
0x1f: {  	s9 =	smul.u32 $0xF7A, s1;
	s8 =	simm.s32 @!p0 $0x1BF5;
	p2 =	por !p2, p0  }
0x20: {  	[sflag:s8] =	ssyncset.s32 @!p0 $0xFFFFF086;
	s6 =	sadd.s32 @!p0 s3, s7;
	s7 =	simm.s32 @!p0 $0x108  }
0x21: {  	s3 =	sadd.s32 s3, s9;
	s6 =	sadd.s32 @!p0 $0x88, s6;
	s7 =	simm.s32 @p2 $0x1082  }
0x22: {  	[simem:s7], [sflag:s8] =	dma.local @!p0 [hbm:s6], $0xF7A  }
0x23: {  	s9 =	sor.u32 $0xD0000000, s2;
	s6 =	simm.s32 $0x108;
	_ =	swait.ge @!p0 [sflag:s8], $0x0  }
0x24: {  	s3 =	sadd.s32 $0x88, s3;
	s6 =	simm.s32 @!p1 $0x1082;
	[sflag:s4] =	ssyncset.s32 $0xFFFFF086  }
0x25: {  	[simem:s6], [sflag:s4] =	dma.local [hbm:s3], $0xF7A  }
0x26: {  	[smem:$0x3F9C] =	sst s1;
	(tag) =	ssettag s2;
	_ =	strace s9  }
0x27: {  	s1 =	sld [smem:$0x3FAC]  }
0x28: {  	s2 =	sld [smem:$0x3FAD]  }
0x29: {  	s4 =	sld [smem:$0x3FAF]  }
0x2a: {  	p0 =	seq.s32 s5, $0x0;
	s5 =	sld [smem:$0x3FB0]  }
0x2b: {  	s6 =	sld [smem:$0x3FB1]  }
0x2c: {  	s7 =	sld [smem:$0x3FB2]  }
0x2d: {  	s3 =	simm.s32 $0x108;
	s8 =	sld [smem:$0x3FB3]  }
0x2e: {  	s3 =	simm.s32 @!p0 $0x1082;
	s9 =	sld [smem:$0x3FB4]  }
0x2f: {  	lr =	sadd.s32 s0, s3;
	s0 =	sld [smem:$0x3FAB]  }
0x30: {  	s3 =	sld [smem:$0x3FAE]  }
0x31: {  	[smem:$0x3FB7] =	sst s10  }
0x32: {  	s10 =	sld [smem:$0x3FB5];
	_ =	sdelay $0x3  }
0x33: {  	p0 =	seq.s32 s10, $0x1;
	s10 =	sld [smem:$0x3FB7];
	_ =	sdelay $0x3  }
0x34: {  	[smem:$0x3FB7] =	sst s10  }
0x35: {  	s10 =	sld [smem:$0x3FB6];
	_ =	sdelay $0x3  }
0x36: {  	p1 =	seq.s32 s10, $0x1;
	s10 =	sld [smem:$0x3FB7];
	_ =	sdelay $0x3  }
0x37: {  	[smem:$0x3FB7] =	sst s10  }
0x38: {  	s10 =	sld [smem:$0x3FB8]  }
0x39: {  	_ = 	snop;
	(pc) =	sbr.ind lr, $3  }
0x3a: {  	_ = 	snop  }
0x3b: {  	_ = 	snop  }
0x3c: {  	p2 =	seq.s32 s10, $0x1;
	s10 =	sld [smem:$0x3FB7]  }
0x3d: {  	_ =	shalt  }
0x3e: {  	_ =	shalt  }
0x3f: {  	_ =	shalt  }
0x40: {  	_ =	shalt  }
0x41: {  	_ =	shalt  }
0x42: {  	_ =	shalt  }
0x43: {  	_ =	shalt  }
0x44: {  	_ =	shalt  }
0x45: {  	_ =	shalt  }
0x46: {  	_ =	shalt  }
0x47: {  	_ =	shalt  }
0x48: {  	_ =	shalt  }
0x49: {  	_ =	shalt  }
0x4a: {  	_ =	shalt  }
0x4b: {  	_ =	shalt  }
0x4c: {  	_ =	shalt  }
0x4d: {  	_ =	shalt  }
0x4e: {  	_ =	shalt  }
0x4f: {  	_ =	shalt  }
0x50: {  	_ =	shalt  }
0x51: {  	_ =	shalt  }
0x52: {  	_ =	shalt  }
0x53: {  	_ =	shalt  }
0x54: {  	_ =	shalt  }
0x55: {  	_ =	shalt  }
0x56: {  	_ =	shalt  }
0x57: {  	_ =	shalt  }
0x58: {  	_ =	shalt  }
0x59: {  	_ =	shalt  }
0x5a: {  	_ =	shalt  }
0x5b: {  	_ =	shalt  }
0x5c: {  	_ =	shalt  }
0x5d: {  	_ =	shalt  }
0x5e: {  	_ =	shalt  }
0x5f: {  	_ =	shalt  }
0x60: {  	_ =	shalt  }
0x61: {  	_ =	shalt  }
0x62: {  	_ =	shalt  }
0x63: {  	_ =	shalt  }
0x64: {  	_ =	shalt  }
0x65: {  	_ =	shalt  }
0x66: {  	_ =	shalt  }
0x67: {  	_ =	shalt  }
0x68: {  	_ =	shalt  }
0x69: {  	_ =	shalt  }
0x6a: {  	_ =	shalt  }
0x6b: {  	_ =	shalt  }
0x6c: {  	_ =	shalt  }
0x6d: {  	_ =	shalt  }
0x6e: {  	_ =	shalt  }
0x6f: {  	_ =	shalt  }
0x70: {  	_ =	shalt  }
0x71: {  	_ =	shalt  }
0x72: {  	_ =	shalt  }
0x73: {  	_ =	shalt  }
0x74: {  	_ =	shalt  }
0x75: {  	_ =	shalt  }
0x76: {  	_ =	shalt  }
0x77: {  	_ =	shalt  }
0x78: {  	_ =	shalt  }
0x79: {  	_ =	shalt  }
0x7a: {  	_ =	shalt  }
0x7b: {  	_ =	shalt  }
0x7c: {  	_ =	shalt  }
0x7d: {  	_ =	shalt  }
0x7e: {  	_ =	shalt  }
0x7f: {  	_ =	shalt  }
0x80: {  	_ =	shalt  }
0x81: {  	_ =	shalt  }
0x82: {  	_ =	shalt  }
0x83: {  	_ =	shalt  }
0x84: {  	_ =	shalt  }
0x85: {  	_ =	shalt  }
0x86: {  	_ =	shalt  }
0x87: {  	_ =	shalt  }
.Lfunc_end0:
.L_simem_size_0:
called_computation_lowered:
.L_overlay_start_0:
0x88: {  	s2 =	sld [smem:$0x3FD9]  }
0x89: {  	s3 =	sld [smem:$0x3FFE];
	_ =	sdelay $0x1  }
0x8a: {  	s1 =	srdreg.scid  }
0x8b: {  	s0 =	sand.u32 $0x1, s1  }
0x8c: {  	s17 =	sshll.u32 s0, $0xA;
	s2 =	sadd.s32 s3, s2  }
0x8d: {  	s2 =	sadd.s32 s2, s17  }
0x8e: {  	[smem:$0x3FC3] =	sst s2  }
0x8f: {  	_ = 	snop  }
0x90: {  	s2 =	sld [smem:$0x3FD0];
	(tm) =	ssettm $0x1  }
0x91: {  	s18 =	sld [smem:$0x3FFB];
	_ =	sdelay $0x3  }
0x92: {  	_ =	strace s18  }
0x93: {  	s3 =	sld [smem:$0x3FFC];
	_ =	sdelay $0x3  }
0x94: {  	_ =	strace s3  }
0x95: {  	s3 =	sld [smem:$0x3FFD];
	_ =	sdelay $0x3  }
0x96: {  	_ =	strace s3  }
0x97: {  	_ =	strace $0x8FFFFFFF  }
0x98: {  	s19 =	sld [smem:$0x3FDB];
	_ =	sdelay $0x1  }
0x99: {  	s4 =	simm.s32 $_scs_section_size  }
0x9a: {  	s5 =	simm.s32 $_size__tile_overlayer_lowered;
	s6 =	simm.s32 $_tile_overlayer_lowered  }
0x9b: {  	s22 =	simm.s32 $0x1BFF;
	s21 =	sshll.u32 s6, $0x1;
	s3 =	sadd.s32 s4, s19  }
0x9c: {  	s7 =	simm.s32 $0x0;
	s20 =	sshll.u32 s5, $0x1;
	s5 =	sadd.s32 s21, s3  }
0x9d: {  	[timem:s7], [sflag:s22] =	dma.local [hbm:s5], s20  }
0x9e: {  	_ =	swait.ge [sflag:s22], s20  }
0x9f: {  	s4 =	ssub.s32 $0x0, s20;
	[sflag:s22] =	ssyncset.done $0x0  }
0xa0: {  	[sflag:s22] =	ssyncadd.s32 s4;
	_ =	sdelay $0x1  }
0xa1: {  	s23 =	simm.s32 $0x1B8B  }
0xa2: {  	_ =	swait.ge [sflag:s23], $0x1  }
0xa3: {  	[sflag:s23] =	ssyncset.done $0x0  }
0xa4: {  	s25 =	simm.s32 $0x1B8E;
	s24 =	sld [smem:$0x3FFE];
	[sflag:s23] =	ssyncadd.s32 $0xFFFFFFFF  }
0xa5: {  	s26 =	simm.s32 $execute0_lowered;
	[smem:$0x3FD2] =	sst s25  }
0xa6: {  	s5 =	sshll.u32 s26, $0x1;
	_ =	strace $0x80000046;
	[dreg:$0x1] =	wrdreg $0xFFFFFFFF  }
0xa7: {  	s28 =	simm.s32 $_size_execute0_lowered;
	s3 =	sadd.s32 s3, s5;
	[dreg:$0x0] =	wrdreg $0x0  }
0xa8: {  	s5 =	sshll.u32 s28, $0x1;
	[dreg:$0x2] =	wrdreg s3  }
0xa9: {  	[dreg:$0x3] =	wrdreg s5  }
0xaa: {  	[dreg:$0x4] =	wrdreg $0xC0  }
0xab: {  	_ =	task [dreg:s7], $0x5FFFF  }
0xac: {  	[dreg:$0x1] =	wrdreg $0xFFFFFFFF  }
0xad: {  	[dreg:$0x0] =	wrdreg $0x60  }
0xae: {  	[dreg:$0x2] =	wrdreg s24  }
0xaf: {  	[dreg:$0x3] =	wrdreg s2  }
0xb0: {  	[dreg:$0x4] =	wrdreg $0x127800  }
0xb1: {  	[dreg:$0x5] =	wrdreg $0x9  }
0xb2: {  	_ =	task.clear_ibuf [dreg:s7], $0x6FFFF;
	_ =	strace $0x90000046  }
0xb3: {  	s29 =	simm.s32 $0x9;
	_ =	strace $0x80000048  }
0xb4: {  	_ =	swait.ge [sflag:s29], $0x1  }
0xb5: {  	[sflag:s29] =	ssyncadd.s32 $0xFFFFFFFF  }
0xb6: {  	_ =	strace $0x90000048  }
0xb7: {  	_ =	sfence  }
0xb8: {  	s30 =	sld [smem:$0x0];
	_ =	sdelay $0x2  }
0xb9: {  	s31 =	sshll.u32 s1, $0xD;
	s1 =	sshrl.u32 s1, $0x2  }
0xba: {  	s3 =	sand.u32 $0x4000, s31;
	s1 =	sadd.s32 s1, s30  }
0xbb: {  	s0 =	sor.u32 s3, s0;
	s1 =	sshll.u32 s1, $0x11  }
0xbc: {  	s0 =	sor.u32 s1, s0  }
0xbd: {  	s0 =	sadd.s32 $0x8F2B, s0  }
0xbe: {  	[sflag:s0] =	ssyncadd.remote.s32 $0x1  }
0xbf: {  	_ =	sfence.sel $0xFFFF  }
0xc0: {  	[dreg:$0x0] =	wrdreg $0xFFFFFFFF;
	(pc) =	sbr.abs _section_cstart, $3  }
0xc1: {  	[dreg:$0x1] =	wrdreg $0xFFFFFFFF  }
0xc2: {  	_ =	task.clear_ibuf [dreg:s7], $0x2FFFF;
	_ =	strace $0x9FFFFFFF  }
0xc3: {  	(tm) =	ssettm $0x7FFFFFFF  }
tec
execute0_lowered:
.L_overlay_start_1:
0x0: {  	(tag) =	ssettag $0x1  }
0x1: {  	s11 =	rddreg [dreg:$0x0]  }
0x2: {  	s13 =	rddreg [dreg:$0x1]  }
0x3: {  	s3 =	rddreg [dreg:$0x2];
	s5 =	simm.s32 $0x0  }
0x4: {  	s0 =	srdreg.scid;
	s8 =	stileid.u32;
	s26 =	simm.s32 $0xFE00  }
0x5: {  	s15 =	simm.s32 $0xC000;
	s28 =	simm.s32 $0xCE00;
	s29 =	simm.s32 $0xDE00  }
0x6: {  	s30 =	simm.s32 $0xEE00;
	s31 =	simm.s32 $0x2;
	s14 =	smul.u32 $0x9300, s8  }
0x7: {  	[smem:$0x7FF] =	sst s5;
	s0 =	sand.u32 $0x1, s0;
	s2 =	smul.u32 $0x190, s8  }
0x8: {  	s7 =	sadd.s32 $0x12600, s11;
	s4 =	sadd.s32 $0x25C600, s11;
	s6 =	smul.u32 $0x32000, s8  }
0x9: {  	s8 =	smul.u32 $0x33000, s8;
	_ =	strace $0x80000047;
	[dreg:$0x6] =	wrdreg s4  }
0xa: {  	s1 =	smul.u32 $0x6400, s0;
	s0 =	ssub.s32 $0x2, s0;
	[dreg:$0x4] =	wrdreg s26  }
0xb: {  	s26 =	simm.s32 $0x20;
	s18 =	sshrl.u32 s0, $0x1;
	s19 =	sshrl.u32 s6, $0x2  }
0xc: {  	s20 =	sshrl.u32 s8, $0x2;
	[dreg:$0x5] =	wrdreg s14;
	s0 =	ssub.s32 s0, s18  }
0xd: {  	s4 =	sadd.s32 $0x1900, s1;
	s9 =	sadd.s32 $0x3200, s1;
	s10 =	sadd.s32 $0x4B00, s1  }
0xe: {  	s12 =	sadd.s32 $0x6400, s1;
	s2 =	sadd.s32 s1, s2;
	s6 =	sadd.s32 s20, s3  }
0xf: {  	[dreg:$0x7] =	wrdreg s2;
	s2 =	sadd.s32 s19, s3;
	s0 =	smax.u32 s0, $0x1  }
0x10: {  	s21 =	sadd.s32 $0x1980, s6;
	s22 =	sadd.s32 $0x3300, s6;
	[dreg:$0x8] =	wrdreg s0  }
0x11: {  	s23 =	sadd.s32 $0x4C80, s6;
	s24 =	sadd.s32 $0x6600, s6;
	[dreg:$0x9] =	wrdreg s21  }
0x12: {  	s25 =	sadd.s32 $0x7F80, s6;
	s17 =	sadd.s32 $0x9900, s6;
	[dreg:$0xa] =	wrdreg s22  }
.Ltmp0:
0x13: {  	s16 =	smov.u32 s6;
	[dreg:$0xb] =	wrdreg s23;
	(pc) =	sbr.rel .LBB2_1-.Ltmp0, $4  }
0x14: {  	s18 =	sadd.s32 $0xB280, s6;
	s19 =	simm.s32 $0xC700;
	[dreg:$0xc] =	wrdreg s24  }
0x15: {  	v5 =	vimm.f32 $0.0e+00;
	v3 =	vmov s10;
	s10 =	simm.s32 $0x4;
	[dreg:$0xd] =	wrdreg s25;
	s20 =	sshrl.u32 s2, $0x3  }
0x16: {  	v6 =	vimm.s32 $0x0;
	v7 =	vimm.s32 $0x1900;
	v0 =	vmov s1;
	s21 =	simm.s32 $0x5;
	s23 =	simm.s32 $0x6000;
	s24 =	simm.s32 $0x1  }
0x17: {  	v1 =	vmov s4;
	v2 =	vmov s9;
	v4 =	vmov s12;
	s25 =	simm.s32 $0x10E00;
	s0 =	simm.s32 $0x3;
	s2 =	simm.s32 $0x0  }
.LBB2_17:
0x18: {  	s2 =	rddreg [dreg:$0xe]  }
0x19: {  	s1 =	rddreg [dreg:$0x8];
	s2 =	sadd.s32 $0x1, s2  }
0x1a: {  	p0 =	sne.s32 s2, s1  }
.Ltmp1:
0x1b: {  	_ = 	snop;
	(pc) =	sbr.rel @!p0 .LBB2_18-.Ltmp1, $4  }
0x1c: {  	_ = 	snop  }
0x1d: {  	s11 =	rddreg [dreg:$0x0]  }
0x1e: {  	s13 =	rddreg [dreg:$0x1]  }
0x1f: {  	s14 =	rddreg [dreg:$0x5];
	s15 =	simm.s32 $0xC000;
	s19 =	simm.s32 $0xC700  }
.LBB2_1:
0x20: {  	[dreg:$0xe] =	wrdreg s2;
	s1 =	simm.s32 $0x0;
	s2 =	simm.s32 $0x200  }
.LBB2_2:
0x21: {  	p0 =	sne.s32 s2, $0x6400;
	[tilespmem:s1+$0x10E70] =	vst v5  }
0x22: {  	[tilespmem:s1+$0x10E00] =	vst v5  }
0x23: {  	[tilespmem:s1+$0x10E10] =	vst v5  }
.Ltmp2:
0x24: {  	[tilespmem:s1+$0x10E20] =	vst v5;
	(pc) =	sbr.rel @p0 .LBB2_2-.Ltmp2, $4  }
0x25: {  	[tilespmem:s1+$0x10E30] =	vst v5  }
0x26: {  	[tilespmem:s1+$0x10E40] =	vst v5  }
0x27: {  	[tilespmem:s1+$0x10E50] =	vst v5  }
0x28: {  	[tilespmem:s1+$0x10E60] =	vst v5;
	s1 =	sshra.s32 s2, $0x2;
	s2 =	sadd.s32 $0x200, s2  }
0x29: {  	[tilespmem:s1+$0x10E70] =	vst v5  }
0x2a: {  	[tilespmem:s1+$0x10E00] =	vst v5  }
0x2b: {  	[tilespmem:s1+$0x10E10] =	vst v5  }
0x2c: {  	[tilespmem:s1+$0x10E20] =	vst v5  }
0x2d: {  	[tilespmem:s1+$0x10E30] =	vst v5  }
0x2e: {  	[tilespmem:s1+$0x10E40] =	vst v5  }
0x2f: {  	[tilespmem:s1+$0x10E50] =	vst v5  }
0x30: {  	s2 =	simm.s32 $0x0;
	[tilespmem:s1+$0x10E60] =	vst v5;
	s1 =	simm.s32 $0x40;
	s4 =	simm.s32 $0x0  }
.LBB2_4:
0x31: {  	p0 =	sne.s32 s1, $0x17FC0;
	[tilespmem:s4+$0x0] =	vst v6;
	s4 =	smov.u32 s1;
	s1 =	sadd.s32 $0x40, s1  }
.Ltmp3:
0x32: {  	(pc) =	sbr.rel @p0 .LBB2_4-.Ltmp3, $2  }
0x33: {  	_ =	sdelay $0x2  }
0x34: {  	s4 =	sshra.s32 s4, $0x2  }
0x35: {  	[tilespmem:s4+$0x0] =	vst v6  }
.LBB2_6:
0x36: {  	p0 =	sne.s32 s2, $0x17F80  }
.Ltmp4:
0x37: {  	_ = 	snop;
	(pc) =	sbr.rel @p0 .LBB2_6-.Ltmp4, $4  }
0x38: {  	_ = 	snop  }
0x39: {  	s1 =	sshra.s32 s2, $0x2  }
0x3a: {  	[tilespmem:s1+$0x6000] =	vst v7  }
0x3b: {  	s2 =	sadd.s32 $0x80, s2;
	[tilespmem:s1+$0x6010] =	vst v7  }
0x3c: {  	v8 =	vimm.s32 $0x0  }
0x3d: {  	s2 =	simm.s32 $0x0;
	v9 =	vimm.s32 $0x0;
	v10 =	vimm.s32 $0x0;
	v11 =	vimm.s32 $0x0;
	s1 =	simm.s32 $0x0  }
.LBB2_8:
0x3e: {  	s4 =	smul.u32 $0x700, s1;
	_ =	sdelay $0x1  }
0x3f: {  	s4 =	sadd.s32 s14, s4  }
0x40: {  	s4 =	sshrl.u32 s4, $0x3  }
0x41: {  	s6 =	sadd.s32 s13, s4  }
0x42: {  	[tilespmem:s15], [sflag:$0x5] =	stream.linear.gather [hbm4b:s6+s2], $0x700, $0x38;
	[tilespmem:$0x1F380] =	vst v63  }
0x43: {  	_ =	swait.ge [sflag:s21], $0x700  }
0x44: {  	[sflag:s21] =	ssyncset.done $0x0  }
0x45: {  	s4 =	sadd.s32 s11, s4;
	[sflag:s21] =	ssyncadd.s32 $0xFFFFF900  }
0x46: {  	[tilespmem:s19], [sflag:$0x5] =	stream.linear.gather [hbm4b:s4+s2], $0x700, $0x38;
	[tilespmem:$0x1F380] =	vst v63  }
0x47: {  	_ =	swait.ge [sflag:s21], $0x700  }
0x48: {  	[sflag:s21] =	ssyncset.done $0x0  }
0x49: {  	s22 =	simm.s32 $0x0;
	[sflag:s21] =	ssyncadd.s32 $0xFFFFF900  }
0x4a: {  	v12 =	vld [tilespmem:s22+$0xC700];
	_ =	sdelay $0x4  }
0x4b: {  	vm0 =	vge.s32 v12, v0;
	vm1 =	vlt.s32 v12, v1  }
0x4c: {  	vm2 =	vge.s32 v12, v1;
	vm3 =	vmand vm0, vm1;
	vm0 =	vlt.s32 v12, v2  }
0x4d: {  	v13 =	vsel vm3, $0x1, v6;
	vm2 =	vmand vm2, vm0  }
0x4e: {  	vm5 =	vge.s32 v12, v3;
	vm1 =	vlt.s32 v12, v4;
	(xrf0) =	vadd.scan.msk.s32 $0xffff, v13;
	v13 =	vsel vm2, $0x1, v6  }
0x4f: {  	vm4 =	vlt.s32 v12, v3;
	vm0 =	vmand vm5, vm1;
	vm1 =	vge.s32 v12, v2;
	(xrf0) =	vadd.scan.msk.s32 $0xffff, v13  }
0x50: {  	vm1 =	vmand vm1, vm4  }
0x51: {  	v14 =	vsel vm0, $0x1, v6;
	v13 =	vsel vm1, $0x1, v6  }
0x52: {  	(xrf0) =	vadd.scan.msk.s32 $0xffff, v14  }
0x53: {  	(xrf0) =	vadd.scan.msk.s32 $0xffff, v13  }
0x54: {  	v13, _, _ =	vpop (xrf0)  }
0x55: {  	v15, _, _ =	vpop (xrf0)  }
0x56: {  	v13 =	vadd.s32 v13, v11;
	v15 =	vadd.s32 v15, v10  }
0x57: {  	v14 =	vld [tilespmem:s22+$0xC000];
	v13 =	vadd.s32 $0xFFFFFFFF, v13  }
0x58: {  	v16, _, _ =	vpop (xrf0)  }
0x59: {  	v17 =	vmpcnt.ones.xlane vm3;
	v19 =	vmpcnt.ones.xlane vm2;
	v18 =	vadd.s32 $0x17FF, v15;
	v15, _, _ =	vpop (xrf0)  }
0x5a: {  	v15 =	vadd.s32 v15, v9  }
0x5b: {  	v11 =	vadd.s32 v11, v17;
	v10 =	vadd.s32 v10, v19;
	v17 =	vadd.s32 $0x2FFF, v15  }
0x5c: {  	v20 =	vmpcnt.ones.xlane vm0;
	v15 =	vadd.s32 v16, v8;
	[tilespmem:v13+s5+$0x0] =	vst.idx.msk vm3, v14;
	v16 =	vsub.s32 v12, v0  }
0x5d: {  	vm14 =	vlt.s32 v10, $0x1780;
	[tilespmem:v13+s23+$0x0] =	vst.idx.msk vm3, v16;
	v13 =	vmpcnt.ones.xlane vm1;
	v15 =	vadd.s32 $0x47FF, v15  }
0x5e: {  	v10 =	vnsel vm14, $0x1780, v10;
	v16 =	vsub.s32 v12, v1;
	[tilespmem:v18+s5+$0x0] =	vst.idx.msk vm2, v14  }
0x5f: {  	v8 =	vadd.s32 v8, v20;
	vm3 =	vlt.s32 v11, $0x1780;
	v13 =	vadd.s32 v9, v13;
	[tilespmem:v18+s23+$0x0] =	vst.idx.msk vm2, v16  }
0x60: {  	vm2 =	vlt.s32 v8, $0x1780;
	v16 =	vsub.s32 v12, v2;
	vm15 =	vlt.s32 v13, $0x1780;
	[tilespmem:v17+s5+$0x0] =	vst.idx.msk vm1, v14  }
0x61: {  	v11 =	vnsel vm3, $0x1780, v11;
	v9 =	vnsel vm2, $0x1780, v8;
	v8 =	vnsel vm15, $0x1780, v13;
	[tilespmem:v17+s23+$0x0] =	vst.idx.msk vm1, v16  }
0x62: {  	s6 =	simm.s32 $0x80;
	s4 =	simm.s32 $0x40;
	v16 =	vsub.s32 v12, v3;
	v12 =	vmovc v9;
	v13 =	vmov v8;
	[tilespmem:v15+s5+$0x0] =	vst.idx.msk vm0, v14;
	v14 =	vmov v10  }
.LBB2_9:
0x63: {  	p0 =	sne.s32 s6, $0x1BC0  }
0x64: {  	s8 =	sshra.s32 s4, $0x2;
	[tilespmem:v15+s23+$0x0] =	vst.idx.msk vm0, v16;
	s4 =	smov.u32 s6;
	s6 =	sadd.s32 $0x40, s6  }
0x65: {  	v16 =	vld [tilespmem:s8+$0xC700];
	_ =	sdelay $0x4  }
0x66: {  	vm0 =	vge.s32 v16, v0;
	vm1 =	vlt.s32 v16, v1;
	vm2 =	vge.s32 v16, v1  }
0x67: {  	vm3 =	vlt.s32 v16, v4;
	vm1 =	vmand vm0, vm1;
	vm0 =	vlt.s32 v16, v2  }
0x68: {  	vm4 =	vlt.s32 v16, v3;
	vm5 =	vge.s32 v16, v3;
	v15 =	vsel vm1, $0x1, v6  }
0x69: {  	v17 =	vmpcnt.ones.xlane vm1;
	vm2 =	vmand vm2, vm0;
	vm0 =	vmand vm5, vm3;
	(xrf0) =	vadd.scan.msk.s32 $0xffff, v15  }
0x6a: {  	vm3 =	vge.s32 v16, v2;
	v15 =	vsel vm2, $0x1, v6;
	v18 =	vsel vm0, $0x1, v6  }
0x6b: {  	v19 =	vmpcnt.ones.xlane vm2;
	vm3 =	vmand vm3, vm4;
	v20 =	vmpcnt.ones.xlane vm0;
	(xrf0) =	vadd.scan.msk.s32 $0xffff, v15  }
0x6c: {  	v21 =	vmpcnt.ones.xlane vm3;
	v15 =	vadd.s32 v11, v17;
	v17 =	vsel vm3, $0x1, v6;
	(xrf0) =	vadd.scan.msk.s32 $0xffff, v18  }
0x6d: {  	v10 =	vadd.s32 v10, v19;
	v9 =	vadd.s32 v9, v20;
	vm4 =	vlt.s32 v15, $0x1780;
	(xrf0) =	vadd.scan.msk.s32 $0xffff, v17  }
0x6e: {  	vm5 =	vlt.s32 v10, $0x1780;
	v8 =	vadd.s32 v8, v21;
	vm6 =	vlt.s32 v9, $0x1780  }
0x6f: {  	v10 =	vnsel vm5, $0x1780, v10;
	vm5 =	vlt.s32 v8, $0x1780;
	v9 =	vnsel vm6, $0x1780, v9;
	v17, _, _ =	vpop (xrf0)  }
0x70: {  	v8 =	vnsel vm5, $0x1780, v8;
	v20 =	vadd.s32 v17, v11;
	v11 =	vnsel vm4, $0x1780, v15  }
0x71: {  	v18 =	vld [tilespmem:s8+$0xC000];
	v15 =	vadd.s32 $0xFFFFFFFF, v20;
	v17, _, _ =	vpop (xrf0)  }
0x72: {  	v17 =	vadd.s32 v17, v14;
	v19, _, _ =	vpop (xrf0);
	v14 =	vmov v10  }
0x73: {  	v17 =	vadd.s32 $0x17FF, v17;
	v19 =	vadd.s32 v19, v12;
	v20, _, _ =	vpop (xrf0);
	v12 =	vmov v9  }
0x74: {  	v20 =	vadd.s32 v20, v13;
	v13 =	vmov v8  }
0x75: {  	v20 =	vadd.s32 $0x2FFF, v20  }
0x76: {  	v21 =	vsub.s32 v16, v0;
	[tilespmem:v15+s5+$0x0] =	vst.idx.msk vm1, v18  }
0x77: {  	[tilespmem:v15+s23+$0x0] =	vst.idx.msk vm1, v21;
	v15 =	vadd.s32 $0x47FF, v19  }
.Ltmp5:
0x78: {  	v19 =	vsub.s32 v16, v1;
	[tilespmem:v17+s5+$0x0] =	vst.idx.msk vm2, v18;
	(pc) =	sbr.rel @p0 .LBB2_9-.Ltmp5, $4  }
0x79: {  	[tilespmem:v17+s23+$0x0] =	vst.idx.msk vm2, v19  }
0x7a: {  	v17 =	vsub.s32 v16, v2;
	[tilespmem:v20+s5+$0x0] =	vst.idx.msk vm3, v18  }
0x7b: {  	[tilespmem:v20+s23+$0x0] =	vst.idx.msk vm3, v17  }
0x7c: {  	v16 =	vsub.s32 v16, v3;
	[tilespmem:v15+s5+$0x0] =	vst.idx.msk vm0, v18  }
0x7d: {  	_ =	sdelay $0x4  }
0x7e: {  	s4 =	sshra.s32 s4, $0x2;
	[tilespmem:v15+s23+$0x0] =	vst.idx.msk vm0, v16  }
0x7f: {  	v15 =	vld [tilespmem:s4+$0xC700];
	_ =	sdelay $0x4  }
0x80: {  	vm7 =	vge.s32 v15, v0;
	vm1 =	vlt.s32 v15, v1  }
0x81: {  	vm2 =	vge.s32 v15, v1;
	vm3 =	vmand vm7, vm1  }
0x82: {  	vm8 =	vlt.s32 v15, v2;
	vm9 =	vlt.s32 v15, v4;
	v50 =	vsel vm3, $0x1, v6  }
0x83: {  	vm4 =	vlt.s32 v15, v3;
	vm5 =	vge.s32 v15, v3;
	vm2 =	vmand vm2, vm8;
	(xrf0) =	vadd.scan.msk.s32 $0xffff, v50  }
0x84: {  	vm11 =	vge.s32 v15, v2;
	vm10 =	vmand vm5, vm9;
	v51 =	vsel vm2, $0x1, v6  }
0x85: {  	vm1 =	vmand vm11, vm4;
	v17 =	vsel vm10, $0x1, v6;
	(xrf0) =	vadd.scan.msk.s32 $0xffff, v51  }
0x86: {  	v52 =	vsel vm1, $0x1, v6;
	(xrf0) =	vadd.scan.msk.s32 $0xffff, v17  }
0x87: {  	(xrf0) =	vadd.scan.msk.s32 $0xffff, v52;
	_ =	sdelay $0x1  }
0x88: {  	v53, _, _ =	vpop (xrf0)  }
0x89: {  	v16 =	vadd.s32 v53, v11  }
0x8a: {  	v54 =	vld [tilespmem:s4+$0xC000];
	v18, _, _ =	vpop (xrf0);
	v16 =	vadd.s32 $0xFFFFFFFF, v16  }
0x8b: {  	v14 =	vadd.s32 v18, v14;
	v55, _, _ =	vpop (xrf0)  }
0x8c: {  	v14 =	vadd.s32 $0x17FF, v14;
	v19, _, _ =	vpop (xrf0)  }
0x8d: {  	v13 =	vadd.s32 v19, v13  }
0x8e: {  	v13 =	vadd.s32 $0x2FFF, v13  }
0x8f: {  	v56 =	vsub.s32 v15, v0;
	v12 =	vadd.s32 v55, v12;
	[tilespmem:v16+s5+$0x0] =	vst.idx.msk vm3, v54  }
0x90: {  	s1 =	sadd.s32 $0x1, s1;
	v59 =	vsub.s32 v15, v1;
	v20 =	vmpcnt.ones.xlane vm2;
	v12 =	vadd.s32 $0x47FF, v12;
	[tilespmem:v16+s23+$0x0] =	vst.idx.msk vm3, v56  }
0x91: {  	p0 =	sne.s32 s1, $0x15;
	v61 =	vsub.s32 v15, v2;
	v58 =	vmpcnt.ones.xlane vm10;
	v60 =	vmpcnt.ones.xlane vm1;
	[tilespmem:v14+s5+$0x0] =	vst.idx.msk vm2, v54  }
.Ltmp6:
0x92: {  	v63 =	vsub.s32 v15, v3;
	v57 =	vmpcnt.ones.xlane vm3;
	v10 =	vadd.s32 v10, v20;
	[tilespmem:v14+s23+$0x0] =	vst.idx.msk vm2, v59;
	(pc) =	sbr.rel @p0 .LBB2_8-.Ltmp6, $4  }
0x93: {  	v9 =	vadd.s32 v9, v58;
	v62 =	vadd.s32 v8, v60;
	[tilespmem:v13+s5+$0x0] =	vst.idx.msk vm1, v54  }
0x94: {  	vm13 =	vlt.s32 v10, $0x1780;
	vm14 =	vlt.s32 v9, $0x1780;
	v11 =	vadd.s32 v11, v57;
	[tilespmem:v13+s23+$0x0] =	vst.idx.msk vm1, v61  }
0x95: {  	vm15 =	vlt.s32 v62, $0x1780;
	v10 =	vnsel vm13, $0x1780, v10;
	vm12 =	vlt.s32 v11, $0x1780;
	[tilespmem:v12+s5+$0x0] =	vst.idx.msk vm10, v54  }
0x96: {  	v8 =	vnsel vm14, $0x1780, v9;
	v9 =	vnsel vm15, $0x1780, v62;
	v11 =	vnsel vm12, $0x1780, v11;
	[tilespmem:v12+s23+$0x0] =	vst.idx.msk vm10, v63  }
0x97: {  	vm0 =	vgt.s32 v11, v10  }
0x98: {  	v10 =	vsel vm0, v11, v10  }
0x99: {  	vm0 =	vgt.s32 v10, v9  }
0x9a: {  	v9 =	vsel vm0, v10, v9  }
0x9b: {  	vm0 =	vgt.s32 v9, v8  }
0x9c: {  	v8 =	vsel vm0, v9, v8  }
0x9d: {  	v8 =	vxor.u32 $0x80000000, v8  }
0x9e: {  	(xrf0) =	vmax.scan.msk.u32 $0xffff, v8;
	_ =	sdelay $0x5  }
0x9f: {  	v8, _, _ =	vpop (xrf0)  }
0xa0: {  	(v2sf) =	vpush v8, $0xF;
	_ =	sdelay $0xe  }
0xa1: {  	s1 =	spop (v2sf)  }
0xa2: {  	s1 =	sadd.s32 $0x8000007F, s1  }
0xa3: {  	s2 =	sand.u32 $0x7F, s1  }
0xa4: {  	s4 =	sshra.s32 s1, $0x1F;
	p0 =	slt.s32 s1, $0x1;
	p1 =	sne.s32 s2, $0x0  }
.Ltmp7:
0xa5: {  	s22 =	sshrl.u32 s4, $0x19;
	p0 =	por !p0, !p1;
	(pc) =	sbr.rel .LBB2_12-.Ltmp7, $4  }
0xa6: {  	s2 =	simm.s32 $0x1;
	s1 =	sadd.s32 s22, s1;
	p0 =	por !p0, !p0  }
0xa7: {  	s1 =	sshra.s32 s1, $0x7;
	s2 =	simm.s32 @!p0 $0x0  }
0xa8: {  	s19 =	simm.s32 $0x0;
	s1 =	ssub.s32 s1, s2  }
0xa9: {  	s4 =	simm.s32 $0x0;
	s2 =	sshll.u32 s1, $0x2;
	p0 =	slt.s32 s1, $0x1  }
.LBB2_15:
0xaa: {  	[tilespmem:s9], [sflag:$0x3] =	stream.indirect.gather @!p2 [hbm4b:s7+s13], $0x80, s12, s13, $0xb8;
	[tilespmem:$0x1F380] =	vst v63  }
.LBB2_16:
0xab: {  	s6 =	smul.u32 $0x1900, s19  }
0xac: {  	s8 =	rddreg [dreg:$0x7];
	s22 =	stileid.u32  }
0xad: {  	[bflag:$0x0] =	sbarrier.arrive $0xFFFF;
	s19 =	sadd.s32 $0x1, s19;
	s6 =	sadd.s32 s6, s8  }
0xae: {  	s9 =	rddreg [dreg:$0x6];
	s8 =	sshll.u32 s22, $0x6;
	s6 =	sshll.u32 s6, $0x4  }
0xaf: {  	p1 =	sne.s32 s19, $0x4;
	s8 =	sor.u32 $0x1C05, s8;
	s6 =	sadd.s32 s9, s6  }
0xb0: {  	[hbm:s6], [sflag:s8] =	dma.local [spmem:s20], $0x1900  }
.Ltmp8:
0xb1: {  	_ =	swait.ge [sflag:s21], $0x1900;
	(pc) =	sbr.rel @!p1 .LBB2_17-.Ltmp8, $4  }
0xb2: {  	[sflag:s21] =	ssyncset.done $0x0  }
0xb3: {  	[sflag:s21] =	ssyncadd.s32 $0xFFFFE700  }
0xb4: {  	[bflag:$0x0] =	sbarrier.arrive $0xFFFF  }
0xb5: {  	s4 =	sadd.s32 $0x6000, s4  }
.LBB2_12:
0xb6: {  	[spmem:s16] =	stream.linear.scatter [tilespmem:s25], [sflag:$0x5], $0x1980, $0x38;
	[tilespmem:$0x1F380] =	vst v63  }
0xb7: {  	_ =	swait.ge [sflag:s21], $0x1980  }
0xb8: {  	[sflag:s21] =	ssyncset.done $0x0  }
0xb9: {  	s6 =	rddreg [dreg:$0x9];
	[sflag:s21] =	ssyncadd.s32 $0xFFFFE680  }
0xba: {  	[spmem:s6] =	stream.linear.scatter [tilespmem:s25], [sflag:$0x5], $0x1980, $0x38;
	[tilespmem:$0x1F380] =	vst v63  }
0xbb: {  	_ =	swait.ge [sflag:s21], $0x1980  }
0xbc: {  	[sflag:s21] =	ssyncset.done $0x0  }
0xbd: {  	s13 =	rddreg [dreg:$0xa];
	[sflag:s21] =	ssyncadd.s32 $0xFFFFE680  }
0xbe: {  	[spmem:s13] =	stream.linear.scatter [tilespmem:s25], [sflag:$0x5], $0x1980, $0x38;
	[tilespmem:$0x1F380] =	vst v63  }
0xbf: {  	_ =	swait.ge [sflag:s21], $0x1980  }
0xc0: {  	[sflag:s21] =	ssyncset.done $0x0  }
0xc1: {  	s14 =	rddreg [dreg:$0xb];
	[sflag:s21] =	ssyncadd.s32 $0xFFFFE680  }
0xc2: {  	[spmem:s14] =	stream.linear.scatter [tilespmem:s25], [sflag:$0x5], $0x1980, $0x38;
	[tilespmem:$0x1F380] =	vst v63  }
0xc3: {  	_ =	swait.ge [sflag:s21], $0x1980  }
0xc4: {  	[sflag:s21] =	ssyncset.done $0x0  }
0xc5: {  	s15 =	rddreg [dreg:$0xc];
	[sflag:s21] =	ssyncadd.s32 $0xFFFFE680  }
0xc6: {  	[spmem:s15] =	stream.linear.scatter [tilespmem:s25], [sflag:$0x5], $0x1980, $0x38;
	[tilespmem:$0x1F380] =	vst v63  }
0xc7: {  	_ =	swait.ge [sflag:s21], $0x1980  }
0xc8: {  	[sflag:s21] =	ssyncset.done $0x0  }
0xc9: {  	s22 =	rddreg [dreg:$0xd];
	[sflag:s21] =	ssyncadd.s32 $0xFFFFE680  }
0xca: {  	[spmem:s22] =	stream.linear.scatter [tilespmem:s25], [sflag:$0x5], $0x1980, $0x38;
	[tilespmem:$0x1F380] =	vst v63  }
0xcb: {  	_ =	swait.ge [sflag:s21], $0x1980  }
0xcc: {  	[sflag:s21] =	ssyncset.done $0x0  }
0xcd: {  	[sflag:s21] =	ssyncadd.s32 $0xFFFFE680  }
0xce: {  	[spmem:s17] =	stream.linear.scatter [tilespmem:s25], [sflag:$0x5], $0x1980, $0x38;
	[tilespmem:$0x1F380] =	vst v63  }
0xcf: {  	_ =	swait.ge [sflag:s21], $0x1980  }
0xd0: {  	[sflag:s21] =	ssyncset.done $0x0  }
0xd1: {  	[sflag:s21] =	ssyncadd.s32 $0xFFFFE680  }
0xd2: {  	[spmem:s18] =	stream.linear.scatter [tilespmem:s25], [sflag:$0x5], $0x1980, $0x38;
	[tilespmem:$0x1F380] =	vst v63  }
.Ltmp9:
0xd3: {  	_ =	swait.ge [sflag:s21], $0x1980;
	(pc) =	sbr.rel @p0 .LBB2_16-.Ltmp9, $3  }
0xd4: {  	[sflag:s21] =	ssyncset.done $0x0  }
0xd5: {  	[sflag:s21] =	ssyncadd.s32 $0xFFFFE680  }
0xd6: {  	[bflag:$0x0] =	sbarrier.arrive $0xFFFF;
	_ =	sdelay $0x1  }
0xd7: {  	s6 =	smul.u32 $0x6000, s19;
	_ =	sdelay $0x1  }
0xd8: {  	s6 =	sshra.s32 s6, $0x2  }
0xd9: {  	[tilespmem:s28], [sflag:$0x1] =	stream.indirect.gather [hbm4b:s7+s26], $0x80, s6, s26, $0xb8;
	[tilespmem:$0x1F380] =	vst v63  }
0xda: {  	s8 =	sor.u32 $0x20, s6  }
0xdb: {  	[tilespmem:s29], [sflag:$0x2] =	stream.indirect.gather [hbm4b:s7+s26], $0x80, s8, s26, $0xb8;
	[tilespmem:$0x1F380] =	vst v63  }
0xdc: {  	s6 =	sor.u32 $0x40, s6  }
0xdd: {  	[tilespmem:s30], [sflag:$0x3] =	stream.indirect.gather [hbm4b:s7+s26], $0x80, s6, s26, $0xb8;
	[tilespmem:$0x1F380] =	vst v63  }
0xde: {  	_ =	swait.ge [sflag:s24], $0x1000  }
0xdf: {  	s11 =	sshra.s32 s4, $0x2;
	[sflag:s24] =	ssyncset.done $0x0  }
0xe0: {  	s12 =	sadd.s32 $0x6000, s11;
	[sflag:s24] =	ssyncadd.s32 $0xFFFFF000  }
0xe1: {  	[spmem:s3] =	stream.indirect.scatter.add.f32 [tilespmem:s28], [sflag:$0x5], $0x80, s12, s26, $0xb8;
	[tilespmem:$0x1F380] =	vst v63  }
0xe2: {  	p1 =	sle.s32 s2, $0x3;
	_ =	swait.ge [sflag:s21], $0x1000  }
0xe3: {  	s9 =	simm.s32 @!p1 $0xFE00;
	s6 =	sshra.s32 @!p1 s4, $0x2;
	[sflag:s21] =	ssyncset.done $0x0  }
0xe4: {  	s6 =	sadd.s32 @!p1 $0x60, s6;
	s12 =	simm.s32 @!p1 $0x20;
	[sflag:s21] =	ssyncadd.s32 $0xFFFFF000  }
0xe5: {  	[tilespmem:s9], [sflag:$0x4] =	stream.indirect.gather @!p1 [hbm4b:s7+s12], $0x80, s6, s12, $0xb8;
	[tilespmem:$0x1F380] =	vst v63  }
0xe6: {  	_ =	swait.ge [sflag:s31], $0x1000  }
0xe7: {  	[sflag:s31] =	ssyncset.done $0x0  }
0xe8: {  	s13 =	sadd.s32 $0x6020, s11;
	[sflag:s31] =	ssyncadd.s32 $0xFFFFF000  }
0xe9: {  	[spmem:s3] =	stream.indirect.scatter.add.f32 [tilespmem:s29], [sflag:$0x5], $0x80, s13, s26, $0xb8;
	[tilespmem:$0x1F380] =	vst v63  }
0xea: {  	p1 =	sle.s32 s2, $0x4;
	_ =	swait.ge [sflag:s21], $0x1000  }
0xeb: {  	s6 =	sshra.s32 @!p1 s4, $0x2;
	s9 =	simm.s32 @!p1 $0xCE00;
	[sflag:s21] =	ssyncset.done $0x0  }
0xec: {  	s12 =	simm.s32 @!p1 $0x20;
	s6 =	sadd.s32 @!p1 $0x80, s6;
	[sflag:s21] =	ssyncadd.s32 $0xFFFFF000  }
0xed: {  	[tilespmem:s9], [sflag:$0x1] =	stream.indirect.gather @!p1 [hbm4b:s7+s12], $0x80, s6, s12, $0xb8;
	[tilespmem:$0x1F380] =	vst v63  }
0xee: {  	_ =	swait.ge [sflag:s0], $0x1000  }
0xef: {  	[sflag:s0] =	ssyncset.done $0x0  }
0xf0: {  	s14 =	sadd.s32 $0x6040, s11;
	[sflag:s0] =	ssyncadd.s32 $0xFFFFF000  }
0xf1: {  	[spmem:s3] =	stream.indirect.scatter.add.f32 [tilespmem:s30], [sflag:$0x5], $0x80, s14, s26, $0xb8;
	[tilespmem:$0x1F380] =	vst v63  }
0xf2: {  	p1 =	sle.s32 s2, $0x5;
	_ =	swait.ge [sflag:s21], $0x1000  }
0xf3: {  	s6 =	sshra.s32 @!p1 s4, $0x2;
	s9 =	simm.s32 @!p1 $0xDE00;
	[sflag:s21] =	ssyncset.done $0x0  }
0xf4: {  	s12 =	simm.s32 @!p1 $0x20;
	s6 =	sadd.s32 @!p1 $0xA0, s6;
	[sflag:s21] =	ssyncadd.s32 $0xFFFFF000  }
0xf5: {  	[tilespmem:s9], [sflag:$0x2] =	stream.indirect.gather @!p1 [hbm4b:s7+s12], $0x80, s6, s12, $0xb8;
	[tilespmem:$0x1F380] =	vst v63  }
0xf6: {  	s22 =	sadd.s32 $0xFFFFFFFF, s1;
	p2 =	sle.s32 s2, $0x6;
	_ =	swait.ge [sflag:s10], $0x1000  }
0xf7: {  	s8 =	sadd.s32 $0x6060, s11;
	p1 =	sne.s32 s22, $0x0;
	[sflag:s10] =	ssyncset.done $0x0  }
.Ltmp10:
0xf8: {  	s15 =	rddreg [dreg:$0x4];
	[sflag:s10] =	ssyncadd.s32 $0xFFFFF000;
	(pc) =	sbr.rel @!p1 .LBB2_15-.Ltmp10, $4  }
0xf9: {  	[spmem:s3] =	stream.indirect.scatter.add.f32 [tilespmem:s15], [sflag:$0x5], $0x80, s8, s26, $0xb8;
	[tilespmem:$0x1F380] =	vst v63  }
0xfa: {  	s13 =	simm.s32 @!p2 $0x20;
	s6 =	simm.s32 $0x7;
	_ =	swait.ge [sflag:s21], $0x1000  }
0xfb: {  	s12 =	sshra.s32 @!p2 s4, $0x2;
	s9 =	simm.s32 @!p2 $0xEE00;
	[sflag:s21] =	ssyncset.done $0x0  }
0xfc: {  	s12 =	sadd.s32 @!p2 $0xC0, s12;
	s8 =	sadd.s32 $0x200, s4;
	[sflag:s21] =	ssyncadd.s32 $0xFFFFF000  }
.LBB2_14:
0xfd: {  	[tilespmem:s9], [sflag:$0x3] =	stream.indirect.gather @!p2 [hbm4b:s7+s13], $0x80, s12, s13, $0xb8;
	[tilespmem:$0x1F380] =	vst v63  }
0xfe: {  	_ =	swait.ge [sflag:s24], $0x1000  }
0xff: {  	s13 =	sshra.s32 s8, $0x2;
	[sflag:s24] =	ssyncset.done $0x0  }
0x100: {  	s14 =	sadd.s32 $0x6000, s13;
	[sflag:s24] =	ssyncadd.s32 $0xFFFFF000  }
0x101: {  	[spmem:s3] =	stream.indirect.scatter.add.f32 [tilespmem:s28], [sflag:$0x5], $0x80, s14, s26, $0xb8;
	[tilespmem:$0x1F380] =	vst v63  }
0x102: {  	p2 =	sge.s32 s6, s2;
	_ =	swait.ge [sflag:s21], $0x1000  }
0x103: {  	s15 =	simm.s32 @!p2 $0xFE00;
	s14 =	sshra.s32 @!p2 s8, $0x2;
	[sflag:s21] =	ssyncset.done $0x0  }
0x104: {  	s11 =	simm.s32 @!p2 $0x20;
	s14 =	sadd.s32 @!p2 $0x60, s14;
	[sflag:s21] =	ssyncadd.s32 $0xFFFFF000  }
0x105: {  	[tilespmem:s15], [sflag:$0x4] =	stream.indirect.gather @!p2 [hbm4b:s7+s11], $0x80, s14, s11, $0xb8;
	[tilespmem:$0x1F380] =	vst v63  }
0x106: {  	_ =	swait.ge [sflag:s31], $0x1000  }
0x107: {  	[sflag:s31] =	ssyncset.done $0x0  }
0x108: {  	s14 =	sadd.s32 $0x6020, s13;
	s15 =	sadd.s32 $0x1, s6;
	[sflag:s31] =	ssyncadd.s32 $0xFFFFF000  }
0x109: {  	[spmem:s3] =	stream.indirect.scatter.add.f32 [tilespmem:s29], [sflag:$0x5], $0x80, s14, s26, $0xb8;
	[tilespmem:$0x1F380] =	vst v63  }
0x10a: {  	p2 =	sge.s32 s15, s2;
	_ =	swait.ge [sflag:s21], $0x1000  }
0x10b: {  	s11 =	sshra.s32 @!p2 s8, $0x2;
	s15 =	simm.s32 @!p2 $0x20;
	[sflag:s21] =	ssyncset.done $0x0  }
0x10c: {  	s11 =	sadd.s32 @!p2 $0x80, s11;
	s14 =	simm.s32 @!p2 $0xCE00;
	[sflag:s21] =	ssyncadd.s32 $0xFFFFF000  }
0x10d: {  	[tilespmem:s14], [sflag:$0x1] =	stream.indirect.gather @!p2 [hbm4b:s7+s15], $0x80, s11, s15, $0xb8;
	[tilespmem:$0x1F380] =	vst v63  }
0x10e: {  	_ =	swait.ge [sflag:s0], $0x1000  }
0x10f: {  	s22 =	sadd.s32 $0xFFFFFFFF, s22;
	s12 =	smov.u32 s6;
	[sflag:s0] =	ssyncset.done $0x0  }
0x110: {  	s14 =	sadd.s32 $0x6040, s13;
	s15 =	sadd.s32 $0x2, s6;
	[sflag:s0] =	ssyncadd.s32 $0xFFFFF000  }
0x111: {  	[spmem:s3] =	stream.indirect.scatter.add.f32 [tilespmem:s30], [sflag:$0x5], $0x80, s14, s26, $0xb8;
	[tilespmem:$0x1F380] =	vst v63  }
0x112: {  	s9 =	smov.u32 s8;
	p2 =	sge.s32 s15, s2;
	_ =	swait.ge [sflag:s21], $0x1000  }
0x113: {  	s11 =	sshra.s32 @!p2 s8, $0x2;
	s15 =	simm.s32 @!p2 $0x20;
	[sflag:s21] =	ssyncset.done $0x0  }
0x114: {  	s11 =	sadd.s32 @!p2 $0xA0, s11;
	s14 =	simm.s32 @!p2 $0xDE00;
	[sflag:s21] =	ssyncadd.s32 $0xFFFFF000  }
0x115: {  	[tilespmem:s14], [sflag:$0x2] =	stream.indirect.gather @!p2 [hbm4b:s7+s15], $0x80, s11, s15, $0xb8;
	[tilespmem:$0x1F380] =	vst v63  }
0x116: {  	p1 =	sne.s32 s22, $0x0;
	s12 =	sadd.s32 $0x3, s12;
	_ =	swait.ge [sflag:s10], $0x1000  }
0x117: {  	s6 =	sadd.s32 $0x4, s6;
	s13 =	sadd.s32 $0x6060, s13;
	[sflag:s10] =	ssyncset.done $0x0  }
.Ltmp11:
0x118: {  	s15 =	rddreg [dreg:$0x4];
	[sflag:s10] =	ssyncadd.s32 $0xFFFFF000;
	(pc) =	sbr.rel @p1 .LBB2_14-.Ltmp11, $4  }
0x119: {  	[spmem:s3] =	stream.indirect.scatter.add.f32 [tilespmem:s15], [sflag:$0x5], $0x80, s13, s26, $0xb8;
	[tilespmem:$0x1F380] =	vst v63  }
0x11a: {  	s8 =	sadd.s32 $0x200, s8;
	p2 =	sge.s32 s12, s2;
	_ =	swait.ge [sflag:s21], $0x1000  }
0x11b: {  	s11 =	sshra.s32 @!p2 s9, $0x2;
	s9 =	simm.s32 @!p2 $0xEE00;
	[sflag:s21] =	ssyncset.done $0x0  }
0x11c: {  	s12 =	sadd.s32 @!p2 $0xC0, s11;
	s13 =	simm.s32 @!p2 $0x20;
	[sflag:s21] =	ssyncadd.s32 $0xFFFFF000  }
.Ltmp12:
0x11d: {  	_ = 	snop;
	(pc) =	sbr.rel .LBB2_15-.Ltmp12, $1  }
0x11e: {  	_ =	sdelay $0x3  }
.LBB2_18:
0x11f: {  	_ =	sfence.sel $0x180000  }
0x120: {  	[bflag:$0x0] =	sbarrier.arrive $0xFFFF  }
0x121: {  	_ =	strace $0x90000047  }
0x122: {  	s0 =	stileid.u32;
	[bflag:$0x2] =	sbarrier.arrive $0xFFFF  }
0x123: {  	p0 =	sne.s32 s0, $0x0;
	s0 =	rddreg [dreg:$0x3]  }
0x124: {  	s0 =	sadd.s32 @!p0 $0x100000, s0  }
0x125: {  	[sflag:s0] =	ssyncadd.tile.s32 @!p0 $0x1;
	_ =	shalt  }
.Lfunc_end2:
_tile_overlayer_lowered:
.L_overlay_start_2:
0x126: {  	(tag) =	ssettag $0x2  }
0x127: {  	s0 =	rddreg [dreg:$0x0];
	s2 =	stileid.u32  }
0x128: {  	s1 =	rddreg [dreg:$0x1];
	p0 =	sne.s32 s2, $0x0  }
0x129: {  	s3 =	rddreg [dreg:$0x2];
	[bflag:$0x3] =	sbarrier.arrive $0xFFFF;
	s2 =	simm.s32 @!p0 $0x1C05  }
0x12a: {  	[timem:s3], [sflag:s2] =	dma.local @!p0 [hbm:s0], s1  }
0x12b: {  	s0 =	simm.s32 @!p0 $0x5  }
0x12c: {  	_ =	swait.ge @!p0 [sflag:s0], s1  }
0x12d: {  	s1 =	ssub.s32 @!p0 $0x0, s1;
	[sflag:s0] =	ssyncset.done @!p0 $0x0  }
0x12e: {  	[sflag:s0] =	ssyncadd.s32 @!p0 s1  }
0x12f: {  	[bflag:$0x3] =	sbarrier.arrive $0xFFFF  }
0x130: {  	_ =	shalt  }

</sc_bundles>
